<compile_context>
chip_gen: v7x
topology: tpu7x:2x2x1
jax: 0.10.2.dev20260603
libtpu: 0.0.44.dev20260713+nightly
codegen_flags: <defaults>
</compile_context>

<pallas_src>
import functools

import jax
import jax.numpy as jnp
from jax import lax
from jax.experimental import pallas as pl
from jax.experimental.pallas import tpu as pltpu
from jax.experimental.pallas import tpu_sc as plsc

BATCH = 16384
DIM = 32
V = 100000
CHUNK = 128
TBLK = 4096


def _tc_transpose4(gu_t, mu_t, gi_t, mi_t):
    grid = (pl.cdiv(V, TBLK),)

    def body(gu_ref, mu_ref, gi_ref, mi_ref, out_ref):
        eye = jnp.eye(DIM, dtype=jnp.float32)
        dn = (((0,), (0,)), ((), ()))

        def tr(ref):
            return jax.lax.dot_general(ref[...], eye, dn,
                                       preferred_element_type=jnp.float32)

        out_ref[...] = jnp.concatenate(
            [tr(gu_ref), tr(mu_ref), tr(gi_ref), tr(mi_ref)],
            axis=1)

    spec = pl.BlockSpec((DIM, TBLK), lambda i: (0, i))
    return pl.pallas_call(
        body,
        grid=grid,
        in_specs=[spec, spec, spec, spec],
        out_specs=pl.BlockSpec((TBLK, 4 * DIM), lambda i: (i, 0)),
        out_shape=jax.ShapeDtypeStruct((V, 4 * DIM), jnp.float32),
    )(gu_t, mu_t, gi_t, mi_t)


def _sc_gather(user2d, item2d, t4):
    info = plsc.get_sparse_core_info()
    nc, ns = info.num_cores, info.num_subcores
    nw = nc * ns
    b_per_w = BATCH // nw
    n_chunks = b_per_w // CHUNK
    mesh = plsc.VectorSubcoreMesh(core_axis_name="c", subcore_axis_name="s")
    out_sds = jax.ShapeDtypeStruct((BATCH, 4 * DIM), jnp.float32)

    @functools.partial(
        pl.kernel,
        mesh=mesh,
        out_type=out_sds,
        compiler_params=pltpu.CompilerParams(use_tc_tiling_on_sc=False),
        scratch_types=[
            pltpu.VMEM((n_chunks, CHUNK), jnp.int32),
            pltpu.VMEM((n_chunks, CHUNK), jnp.int32),
            pltpu.VMEM((2, CHUNK, 4 * DIM), jnp.float32),
            pltpu.SemaphoreType.DMA,
            pltpu.SemaphoreType.DMA,
        ],
    )
    def k(user_hbm, item_hbm, t4_hbm, out_x, idx_u, idx_i, stg, sem, osem):
        wid = lax.axis_index("s") * nc + lax.axis_index("c")
        pltpu.sync_copy(user_hbm.at[pl.ds(wid * n_chunks, n_chunks)], idx_u)
        pltpu.sync_copy(item_hbm.at[pl.ds(wid * n_chunks, n_chunks)], idx_i)
        for c in range(n_chunks):
            cu = pltpu.async_copy(t4_hbm.at[idx_u.at[c]], stg.at[0], sem)
            ci = pltpu.async_copy(t4_hbm.at[idx_i.at[c]], stg.at[1], sem)
            rows = pl.ds(wid * b_per_w + c * CHUNK, CHUNK)
            cu.wait()
            ou = pltpu.async_copy(
                stg.at[0, slice(None), pl.ds(0, 2 * DIM)],
                out_x.at[rows, pl.ds(0, 2 * DIM)], osem)
            ci.wait()
            oi = pltpu.async_copy(
                stg.at[1, slice(None), pl.ds(2 * DIM, 2 * DIM)],
                out_x.at[rows, pl.ds(2 * DIM, 2 * DIM)], osem)
            ou.wait()
            oi.wait()

    return k(user2d, item2d, t4)


def _tc_mlp(x, w1u_t, w1i_t, w2t, wfg, wfh, b1r, b2r, bfr):
    bm = 2048
    grid = (BATCH // bm,)

    def body(x_ref, w1u_ref, w1i_ref, w2_ref, wfg_ref, wfh_ref,
             b1_ref, b2_ref, bf_ref, out_ref):
        xb = x_ref[...]
        g = xb[:, 0:DIM] * xb[:, 2 * DIM:3 * DIM]
        h1 = jnp.maximum(
            jnp.dot(xb[:, DIM:2 * DIM], w1u_ref[...],
                    preferred_element_type=jnp.float32)
            + jnp.dot(xb[:, 3 * DIM:], w1i_ref[...],
                      preferred_element_type=jnp.float32)
            + b1_ref[...], 0.0)
        h2 = jnp.maximum(
            jnp.dot(h1, w2_ref[...], preferred_element_type=jnp.float32)
            + b2_ref[...], 0.0)
        out_ref[...] = (
            jnp.sum(g * wfg_ref[...], axis=1, keepdims=True)
            + jnp.sum(h2 * wfh_ref[...], axis=1, keepdims=True)
            + bf_ref[...])

    full = lambda shape: pl.BlockSpec(shape, lambda i: tuple(0 for _ in shape))
    return pl.pallas_call(
        body,
        grid=grid,
        in_specs=[
            pl.BlockSpec((bm, 4 * DIM), lambda i: (i, 0)),
            full((DIM, 64)), full((DIM, 64)), full((64, DIM)),
            full((1, DIM)), full((1, DIM)),
            full((1, 64)), full((1, DIM)), full((1, 1)),
        ],
        out_specs=pl.BlockSpec((bm, 1), lambda i: (i, 0)),
        out_shape=jax.ShapeDtypeStruct((BATCH, 1), jnp.float32),
    )(x, w1u_t, w1i_t, w2t, wfg, wfh, b1r, b2r, bfr)


def kernel(user, item, gmf_user_emb, gmf_item_emb, mlp_user_emb, mlp_item_emb,
           W1, b1, W2, b2, Wf, bf):
    user2d = user.astype(jnp.int32).reshape(-1, CHUNK)
    item2d = item.astype(jnp.int32).reshape(-1, CHUNK)
    t4 = _tc_transpose4(gmf_user_emb.T, mlp_user_emb.T,
                        gmf_item_emb.T, mlp_item_emb.T)
    x = _sc_gather(user2d, item2d, t4)
    out = _tc_mlp(x, W1[:, :DIM].T, W1[:, DIM:].T, W2.T,
                  Wf[:, :DIM], Wf[:, DIM:],
                  b1.reshape(1, 64), b2.reshape(1, DIM), bf.reshape(1, 1))
    return out[:, 0]

# --- scband reference (transcript-rebuilt; emitter-appended) ---
"""Pipeline reference for scband-ncf-43112881717249 (READ-ONLY COPY).

The authoritative reference and input builder live on the scoring server;
editing this copy changes nothing except your own understanding.
"""

import jax, jax.numpy as jnp
import numpy as np

NUM_USERS = 100000
NUM_ITEMS = 100000
GMF_DIM = 32
MLP_DIM = 32
BATCH = 16384


def setup_inputs(seed: int = 0) -> dict:
    key = jax.random.key(seed)
    ks = jax.random.split(key, 12)
    user = jax.random.randint(ks[0], (BATCH,), 0, NUM_USERS)
    item = jax.random.randint(ks[1], (BATCH,), 0, NUM_ITEMS)
    # embeddings (xavier-uniform style scaling)
    def xav(k, shape):
        fan_in, fan_out = shape[-1], shape[0]
        limit = np.sqrt(6.0 / (shape[0] + shape[1]))
        return jax.random.uniform(k, shape, jnp.float32, -limit, limit)
    gmf_user_emb = xav(ks[2], (NUM_USERS, GMF_DIM))
    gmf_item_emb = xav(ks[3], (NUM_ITEMS, GMF_DIM))
    mlp_user_emb = xav(ks[4], (NUM_USERS, MLP_DIM))
    mlp_item_emb = xav(ks[5], (NUM_ITEMS, MLP_DIM))
    # MLP: Linear(64->64), Linear(64->32); final Linear(64->1)
    W1 = xav(ks[6], (64, MLP_DIM * 2))
    b1 = jnp.zeros((64,), jnp.float32)
    W2 = xav(ks[7], (32, 64))
    b2 = jnp.zeros((32,), jnp.float32)
    Wf = xav(ks[8], (1, GMF_DIM + 32))
    bf = jnp.zeros((1,), jnp.float32)
    return {
        "user": user, "item": item,
        "gmf_user_emb": gmf_user_emb, "gmf_item_emb": gmf_item_emb,
        "mlp_user_emb": mlp_user_emb, "mlp_item_emb": mlp_item_emb,
        "W1": W1, "b1": b1, "W2": W2, "b2": b2, "Wf": Wf, "bf": bf,
    }


def reference(user, item, gmf_user_emb, gmf_item_emb, mlp_user_emb, mlp_item_emb, W1, b1, W2, b2, Wf, bf):
    # GMF branch: embedding gathers + elementwise product
    gmf_u = jnp.take(gmf_user_emb, user, axis=0)
    gmf_i = jnp.take(gmf_item_emb, item, axis=0)
    gmf_out = gmf_u * gmf_i
    # MLP branch
    mlp_u = jnp.take(mlp_user_emb, user, axis=0)
    mlp_i = jnp.take(mlp_item_emb, item, axis=0)
    mlp_in = jnp.concatenate([mlp_u, mlp_i], axis=-1)
    h = jax.nn.relu(mlp_in @ W1.T + b1)  # dropout is identity in eval
    h = jax.nn.relu(h @ W2.T + b2)
    combined = jnp.concatenate([gmf_out, h], axis=-1)
    out = combined @ Wf.T + bf
    return out.squeeze(-1)

if __name__ == "__main__":
    import jax
    _d = setup_inputs()
    print(jax.jit(kernel)(*tuple(_d.values())))

</pallas_src>

<mosaic_0001>
#map = affine_map<(d0, d1) -> (0, 0)>
module attributes {stable_mosaic.version = 14 : i64} {
  func.func @k(%arg0: i32, %arg1: i32, %arg2: memref<128x128xi32, #tpu.memory_space<hbm>>, %arg3: memref<128x128xi32, #tpu.memory_space<hbm>>, %arg4: memref<100000x128xf32, #tpu.memory_space<hbm>>, %arg5: memref<16384x128xf32, #tpu.memory_space<hbm>>, %arg6: memref<4x128xi32, #tpu.memory_space<vmem>>, %arg7: memref<4x128xi32, #tpu.memory_space<vmem>>, %arg8: memref<2x128x128xf32, #tpu.memory_space<vmem>>, %arg9: memref<!tpu.dma_semaphore, #tpu.memory_space<semaphore_mem>>, %arg10: memref<!tpu.dma_semaphore, #tpu.memory_space<semaphore_mem>>) attributes {dimension_semantics = [#tpu.dimension_semantics<core_parallel>, #tpu.dimension_semantics<subcore_parallel>], iteration_bounds = array<i64: 2, 16>, scalar_prefetch = 0 : i64, scratch_operands = 5 : i64, tpu.core_type = #tpu.core_type<sc_vector_subcore>, window_params = [{transform_indices = #map}, {transform_indices = #map}, {transform_indices = #map}, {transform_indices = #map}]} {
    %mul3A = arith.constant 2 : i32
    %mul3A_0 = arith.muli %arg1, %mul3A : i32
    %add3A = arith.addi %mul3A_0, %arg0 : i32
    %mul3A_1 = arith.constant 4 : i32
    %mul3A_2 = arith.muli %add3A, %mul3A_1 : i32
    "tpu.region"() ({
      %run_scoped3A = tpu.sem_alloc : memref<!tpu.dma_semaphore, #tpu.memory_space<semaphore_mem>>
      %dma_start3A_419 = arith.constant 0 : i32
      %dma_start3A_420 = tpu.memref_slice %arg2[%mul3A_2, %dma_start3A_419] : memref<128x128xi32, #tpu.memory_space<hbm>> -> memref<4x128xi32, #tpu.memory_space<hbm>>
      %dma_start3A_421 = arith.constant 0 : i32
      %dma_start3A_422 = tpu.memref_slice %arg2[%mul3A_2, %dma_start3A_421] : memref<128x128xi32, #tpu.memory_space<hbm>> -> memref<4x128xi32, #tpu.memory_space<hbm>>
      tpu.enqueue_dma source(%dma_start3A_422 : memref<4x128xi32, #tpu.memory_space<hbm>>) target(%arg6 : memref<4x128xi32, #tpu.memory_space<vmem>>) target_semaphore(%run_scoped3A : memref<!tpu.dma_semaphore, #tpu.memory_space<semaphore_mem>>)
      %dma_wait3A_423 = arith.constant 0 : i32
      %dma_wait3A_424 = tpu.memref_slice %arg2[%mul3A_2, %dma_wait3A_423] : memref<128x128xi32, #tpu.memory_space<hbm>> -> memref<4x128xi32, #tpu.memory_space<hbm>>
      %dma_wait3A_425 = arith.constant 0 : i32
      %dma_wait3A_426 = tpu.memref_slice %arg2[%mul3A_2, %dma_wait3A_425] : memref<128x128xi32, #tpu.memory_space<hbm>> -> memref<4x128xi32, #tpu.memory_space<hbm>>
      tpu.wait_dma2 semaphore(%run_scoped3A : memref<!tpu.dma_semaphore, #tpu.memory_space<semaphore_mem>>) src(%dma_wait3A_426 : memref<4x128xi32, #tpu.memory_space<hbm>>) dst(%arg6 : memref<4x128xi32, #tpu.memory_space<vmem>>)
      tpu.yield
    }) : () -> ()
    %mul3A_3 = arith.constant 4 : i32
    %mul3A_4 = arith.muli %add3A, %mul3A_3 : i32
    "tpu.region"() ({
      %run_scoped3A = tpu.sem_alloc : memref<!tpu.dma_semaphore, #tpu.memory_space<semaphore_mem>>
      %dma_start3A_419 = arith.constant 0 : i32
      %dma_start3A_420 = tpu.memref_slice %arg3[%mul3A_4, %dma_start3A_419] : memref<128x128xi32, #tpu.memory_space<hbm>> -> memref<4x128xi32, #tpu.memory_space<hbm>>
      %dma_start3A_421 = arith.constant 0 : i32
      %dma_start3A_422 = tpu.memref_slice %arg3[%mul3A_4, %dma_start3A_421] : memref<128x128xi32, #tpu.memory_space<hbm>> -> memref<4x128xi32, #tpu.memory_space<hbm>>
      tpu.enqueue_dma source(%dma_start3A_422 : memref<4x128xi32, #tpu.memory_space<hbm>>) target(%arg7 : memref<4x128xi32, #tpu.memory_space<vmem>>) target_semaphore(%run_scoped3A : memref<!tpu.dma_semaphore, #tpu.memory_space<semaphore_mem>>)
      %dma_wait3A_423 = arith.constant 0 : i32
      %dma_wait3A_424 = tpu.memref_slice %arg3[%mul3A_4, %dma_wait3A_423] : memref<128x128xi32, #tpu.memory_space<hbm>> -> memref<4x128xi32, #tpu.memory_space<hbm>>
      %dma_wait3A_425 = arith.constant 0 : i32
      %dma_wait3A_426 = tpu.memref_slice %arg3[%mul3A_4, %dma_wait3A_425] : memref<128x128xi32, #tpu.memory_space<hbm>> -> memref<4x128xi32, #tpu.memory_space<hbm>>
      tpu.wait_dma2 semaphore(%run_scoped3A : memref<!tpu.dma_semaphore, #tpu.memory_space<semaphore_mem>>) src(%dma_wait3A_426 : memref<4x128xi32, #tpu.memory_space<hbm>>) dst(%arg7 : memref<4x128xi32, #tpu.memory_space<vmem>>)
      tpu.yield
    }) : () -> ()
    %dma_start3A = arith.constant 0 : i32
    %dma_start3A_5 = arith.constant 0 : i32
    %dma_start3A_6 = arith.constant 0 : i32
    %dma_start3A_7 = arith.constant 0 : i32
    %dma_start3A_8 = tpu.memref_slice %arg8[%dma_start3A_5, %dma_start3A_6, %dma_start3A_7] : memref<2x128x128xf32, #tpu.memory_space<vmem>> -> memref<1x128x128xf32, #tpu.memory_space<vmem>>
    %dma_start3A_9 = tpu.memref_squeeze %dma_start3A_8 : memref<1x128x128xf32, #tpu.memory_space<vmem>> -> memref<128x128xf32, #tpu.memory_space<vmem>>
    %dma_start3A_10 = arith.constant 0 : i32
    %dma_start3A_11 = tpu.memref_slice %arg6[%dma_start3A, %dma_start3A_10] : memref<4x128xi32, #tpu.memory_space<vmem>> -> memref<1x128xi32, #tpu.memory_space<vmem>>
    %dma_start3A_12 = tpu.memref_squeeze %dma_start3A_11 : memref<1x128xi32, #tpu.memory_space<vmem>> -> memref<128xi32, #tpu.memory_space<vmem>>
    %dma_start3A_13 = arith.constant 0 : i32
    %dma_start3A_14 = arith.constant 0 : i32
    %dma_start3A_15 = tpu.memref_slice %arg4[%dma_start3A_13, %dma_start3A_14] : memref<100000x128xf32, #tpu.memory_space<hbm>> -> memref<100000x128xf32, #tpu.memory_space<hbm>>
    tpu.enqueue_indirect_dma source(%dma_start3A_15 : memref<100000x128xf32, #tpu.memory_space<hbm>>) target(%dma_start3A_9 : memref<128x128xf32, #tpu.memory_space<vmem>>) offsets(%dma_start3A_12 : memref<128xi32, #tpu.memory_space<vmem>>) semaphore(%arg9 : memref<!tpu.dma_semaphore, #tpu.memory_space<semaphore_mem>>)
    %dma_start3A_16 = arith.constant 0 : i32
    %dma_start3A_17 = arith.constant 1 : i32
    %dma_start3A_18 = arith.constant 0 : i32
    %dma_start3A_19 = arith.constant 0 : i32
    %dma_start3A_20 = tpu.memref_slice %arg8[%dma_start3A_17, %dma_start3A_18, %dma_start3A_19] : memref<2x128x128xf32, #tpu.memory_space<vmem>> -> memref<1x128x128xf32, #tpu.memory_space<vmem>>
    %dma_start3A_21 = tpu.memref_squeeze %dma_start3A_20 : memref<1x128x128xf32, #tpu.memory_space<vmem>> -> memref<128x128xf32, #tpu.memory_space<vmem>>
    %dma_start3A_22 = arith.constant 0 : i32
    %dma_start3A_23 = tpu.memref_slice %arg7[%dma_start3A_16, %dma_start3A_22] : memref<4x128xi32, #tpu.memory_space<vmem>> -> memref<1x128xi32, #tpu.memory_space<vmem>>
    %dma_start3A_24 = tpu.memref_squeeze %dma_start3A_23 : memref<1x128xi32, #tpu.memory_space<vmem>> -> memref<128xi32, #tpu.memory_space<vmem>>
    %dma_start3A_25 = arith.constant 0 : i32
    %dma_start3A_26 = arith.constant 0 : i32
    %dma_start3A_27 = tpu.memref_slice %arg4[%dma_start3A_25, %dma_start3A_26] : memref<100000x128xf32, #tpu.memory_space<hbm>> -> memref<100000x128xf32, #tpu.memory_space<hbm>>
    tpu.enqueue_indirect_dma source(%dma_start3A_27 : memref<100000x128xf32, #tpu.memory_space<hbm>>) target(%dma_start3A_21 : memref<128x128xf32, #tpu.memory_space<vmem>>) offsets(%dma_start3A_24 : memref<128xi32, #tpu.memory_space<vmem>>) semaphore(%arg9 : memref<!tpu.dma_semaphore, #tpu.memory_space<semaphore_mem>>)
    %mul3A_28 = arith.constant 512 : i32
    %mul3A_29 = arith.muli %add3A, %mul3A_28 : i32
    %add3A_30 = arith.constant 0 : i32
    %add3A_31 = arith.addi %mul3A_29, %add3A_30 : i32
    %dma_wait3A = arith.constant 0 : i32
    %dma_wait3A_32 = arith.constant 0 : i32
    %dma_wait3A_33 = arith.constant 0 : i32
    %dma_wait3A_34 = arith.constant 0 : i32
    %dma_wait3A_35 = tpu.memref_slice %arg8[%dma_wait3A_32, %dma_wait3A_33, %dma_wait3A_34] : memref<2x128x128xf32, #tpu.memory_space<vmem>> -> memref<1x128x128xf32, #tpu.memory_space<vmem>>
    %dma_wait3A_36 = tpu.memref_squeeze %dma_wait3A_35 : memref<1x128x128xf32, #tpu.memory_space<vmem>> -> memref<128x128xf32, #tpu.memory_space<vmem>>
    %dma_wait3A_37 = arith.constant 0 : i32
    %dma_wait3A_38 = tpu.memref_slice %arg6[%dma_wait3A, %dma_wait3A_37] : memref<4x128xi32, #tpu.memory_space<vmem>> -> memref<1x128xi32, #tpu.memory_space<vmem>>
    %dma_wait3A_39 = tpu.memref_squeeze %dma_wait3A_38 : memref<1x128xi32, #tpu.memory_space<vmem>> -> memref<128xi32, #tpu.memory_space<vmem>>
    %dma_wait3A_40 = arith.constant 0 : i32
    %dma_wait3A_41 = arith.constant 0 : i32
    %dma_wait3A_42 = tpu.memref_slice %arg4[%dma_wait3A_40, %dma_wait3A_41] : memref<100000x128xf32, #tpu.memory_space<hbm>> -> memref<100000x128xf32, #tpu.memory_space<hbm>>
    tpu.wait_indirect_dma semaphore(%arg9 : memref<!tpu.dma_semaphore, #tpu.memory_space<semaphore_mem>>) src(%dma_wait3A_42 : memref<100000x128xf32, #tpu.memory_space<hbm>>) dst(%dma_wait3A_36 : memref<128x128xf32, #tpu.memory_space<vmem>>)
    %dma_start3A_43 = arith.constant 0 : i32
    %dma_start3A_44 = arith.constant 0 : i32
    %dma_start3A_45 = arith.constant 0 : i32
    %dma_start3A_46 = tpu.memref_slice %arg8[%dma_start3A_43, %dma_start3A_44, %dma_start3A_45] : memref<2x128x128xf32, #tpu.memory_space<vmem>> -> memref<1x128x64xf32, #tpu.memory_space<vmem>>
    %dma_start3A_47 = tpu.memref_squeeze %dma_start3A_46 : memref<1x128x64xf32, #tpu.memory_space<vmem>> -> memref<128x64xf32, #tpu.memory_space<vmem>>
    %dma_start3A_48 = arith.constant 0 : i32
    %dma_start3A_49 = tpu.memref_slice %arg5[%add3A_31, %dma_start3A_48] : memref<16384x128xf32, #tpu.memory_space<hbm>> -> memref<128x64xf32, #tpu.memory_space<hbm>>
    %dma_start3A_50 = arith.constant 0 : i32
    %dma_start3A_51 = tpu.memref_slice %arg5[%add3A_31, %dma_start3A_50] : memref<16384x128xf32, #tpu.memory_space<hbm>> -> memref<128x64xf32, #tpu.memory_space<hbm>>
    %dma_start3A_52 = arith.constant 0 : i32
    %dma_start3A_53 = arith.constant 0 : i32
    %dma_start3A_54 = tpu.memref_slice %arg8[%dma_start3A_43, %dma_start3A_52, %dma_start3A_53] : memref<2x128x128xf32, #tpu.memory_space<vmem>> -> memref<1x128x64xf32, #tpu.memory_space<vmem>>
    %dma_start3A_55 = tpu.memref_squeeze %dma_start3A_54 : memref<1x128x64xf32, #tpu.memory_space<vmem>> -> memref<128x64xf32, #tpu.memory_space<vmem>>
    tpu.enqueue_dma source(%dma_start3A_55 : memref<128x64xf32, #tpu.memory_space<vmem>>) target(%dma_start3A_51 : memref<128x64xf32, #tpu.memory_space<hbm>>) target_semaphore(%arg10 : memref<!tpu.dma_semaphore, #tpu.memory_space<semaphore_mem>>)
    %dma_wait3A_56 = arith.constant 0 : i32
    %dma_wait3A_57 = arith.constant 1 : i32
    %dma_wait3A_58 = arith.constant 0 : i32
    %dma_wait3A_59 = arith.constant 0 : i32
    %dma_wait3A_60 = tpu.memref_slice %arg8[%dma_wait3A_57, %dma_wait3A_58, %dma_wait3A_59] : memref<2x128x128xf32, #tpu.memory_space<vmem>> -> memref<1x128x128xf32, #tpu.memory_space<vmem>>
    %dma_wait3A_61 = tpu.memref_squeeze %dma_wait3A_60 : memref<1x128x128xf32, #tpu.memory_space<vmem>> -> memref<128x128xf32, #tpu.memory_space<vmem>>
    %dma_wait3A_62 = arith.constant 0 : i32
    %dma_wait3A_63 = tpu.memref_slice %arg7[%dma_wait3A_56, %dma_wait3A_62] : memref<4x128xi32, #tpu.memory_space<vmem>> -> memref<1x128xi32, #tpu.memory_space<vmem>>
    %dma_wait3A_64 = tpu.memref_squeeze %dma_wait3A_63 : memref<1x128xi32, #tpu.memory_space<vmem>> -> memref<128xi32, #tpu.memory_space<vmem>>
    %dma_wait3A_65 = arith.constant 0 : i32
    %dma_wait3A_66 = arith.constant 0 : i32
    %dma_wait3A_67 = tpu.memref_slice %arg4[%dma_wait3A_65, %dma_wait3A_66] : memref<100000x128xf32, #tpu.memory_space<hbm>> -> memref<100000x128xf32, #tpu.memory_space<hbm>>
    tpu.wait_indirect_dma semaphore(%arg9 : memref<!tpu.dma_semaphore, #tpu.memory_space<semaphore_mem>>) src(%dma_wait3A_67 : memref<100000x128xf32, #tpu.memory_space<hbm>>) dst(%dma_wait3A_61 : memref<128x128xf32, #tpu.memory_space<vmem>>)
    %dma_start3A_68 = arith.constant 1 : i32
    %dma_start3A_69 = arith.constant 0 : i32
    %dma_start3A_70 = arith.constant 64 : i32
    %dma_start3A_71 = tpu.memref_slice %arg8[%dma_start3A_68, %dma_start3A_69, %dma_start3A_70] : memref<2x128x128xf32, #tpu.memory_space<vmem>> -> memref<1x128x64xf32, #tpu.memory_space<vmem>>
    %dma_start3A_72 = tpu.memref_squeeze %dma_start3A_71 : memref<1x128x64xf32, #tpu.memory_space<vmem>> -> memref<128x64xf32, #tpu.memory_space<vmem>>
    %dma_start3A_73 = arith.constant 64 : i32
    %dma_start3A_74 = tpu.memref_slice %arg5[%add3A_31, %dma_start3A_73] : memref<16384x128xf32, #tpu.memory_space<hbm>> -> memref<128x64xf32, #tpu.memory_space<hbm>>
    %dma_start3A_75 = arith.constant 64 : i32
    %dma_start3A_76 = tpu.memref_slice %arg5[%add3A_31, %dma_start3A_75] : memref<16384x128xf32, #tpu.memory_space<hbm>> -> memref<128x64xf32, #tpu.memory_space<hbm>>
    %dma_start3A_77 = arith.constant 0 : i32
    %dma_start3A_78 = arith.constant 64 : i32
    %dma_start3A_79 = tpu.memref_slice %arg8[%dma_start3A_68, %dma_start3A_77, %dma_start3A_78] : memref<2x128x128xf32, #tpu.memory_space<vmem>> -> memref<1x128x64xf32, #tpu.memory_space<vmem>>
    %dma_start3A_80 = tpu.memref_squeeze %dma_start3A_79 : memref<1x128x64xf32, #tpu.memory_space<vmem>> -> memref<128x64xf32, #tpu.memory_space<vmem>>
    tpu.enqueue_dma source(%dma_start3A_80 : memref<128x64xf32, #tpu.memory_space<vmem>>) target(%dma_start3A_76 : memref<128x64xf32, #tpu.memory_space<hbm>>) target_semaphore(%arg10 : memref<!tpu.dma_semaphore, #tpu.memory_space<semaphore_mem>>)
    %dma_wait3A_81 = arith.constant 0 : i32
    %dma_wait3A_82 = arith.constant 0 : i32
    %dma_wait3A_83 = arith.constant 0 : i32
    %dma_wait3A_84 = tpu.memref_slice %arg8[%dma_wait3A_81, %dma_wait3A_82, %dma_wait3A_83] : memref<2x128x128xf32, #tpu.memory_space<vmem>> -> memref<1x128x64xf32, #tpu.memory_space<vmem>>
    %dma_wait3A_85 = tpu.memref_squeeze %dma_wait3A_84 : memref<1x128x64xf32, #tpu.memory_space<vmem>> -> memref<128x64xf32, #tpu.memory_space<vmem>>
    %dma_wait3A_86 = arith.constant 0 : i32
    %dma_wait3A_87 = tpu.memref_slice %arg5[%add3A_31, %dma_wait3A_86] : memref<16384x128xf32, #tpu.memory_space<hbm>> -> memref<128x64xf32, #tpu.memory_space<hbm>>
    %dma_wait3A_88 = arith.constant 0 : i32
    %dma_wait3A_89 = tpu.memref_slice %arg5[%add3A_31, %dma_wait3A_88] : memref<16384x128xf32, #tpu.memory_space<hbm>> -> memref<128x64xf32, #tpu.memory_space<hbm>>
    %dma_wait3A_90 = arith.constant 0 : i32
    %dma_wait3A_91 = arith.constant 0 : i32
    %dma_wait3A_92 = tpu.memref_slice %arg8[%dma_wait3A_81, %dma_wait3A_90, %dma_wait3A_91] : memref<2x128x128xf32, #tpu.memory_space<vmem>> -> memref<1x128x64xf32, #tpu.memory_space<vmem>>
    %dma_wait3A_93 = tpu.memref_squeeze %dma_wait3A_92 : memref<1x128x64xf32, #tpu.memory_space<vmem>> -> memref<128x64xf32, #tpu.memory_space<vmem>>
    tpu.wait_dma2 semaphore(%arg10 : memref<!tpu.dma_semaphore, #tpu.memory_space<semaphore_mem>>) src(%dma_wait3A_93 : memref<128x64xf32, #tpu.memory_space<vmem>>) dst(%dma_wait3A_89 : memref<128x64xf32, #tpu.memory_space<hbm>>)
    %dma_wait3A_94 = arith.constant 1 : i32
    %dma_wait3A_95 = arith.constant 0 : i32
    %dma_wait3A_96 = arith.constant 64 : i32
    %dma_wait3A_97 = tpu.memref_slice %arg8[%dma_wait3A_94, %dma_wait3A_95, %dma_wait3A_96] : memref<2x128x128xf32, #tpu.memory_space<vmem>> -> memref<1x128x64xf32, #tpu.memory_space<vmem>>
    %dma_wait3A_98 = tpu.memref_squeeze %dma_wait3A_97 : memref<1x128x64xf32, #tpu.memory_space<vmem>> -> memref<128x64xf32, #tpu.memory_space<vmem>>
    %dma_wait3A_99 = arith.constant 64 : i32
    %dma_wait3A_100 = tpu.memref_slice %arg5[%add3A_31, %dma_wait3A_99] : memref<16384x128xf32, #tpu.memory_space<hbm>> -> memref<128x64xf32, #tpu.memory_space<hbm>>
    %dma_wait3A_101 = arith.constant 64 : i32
    %dma_wait3A_102 = tpu.memref_slice %arg5[%add3A_31, %dma_wait3A_101] : memref<16384x128xf32, #tpu.memory_space<hbm>> -> memref<128x64xf32, #tpu.memory_space<hbm>>
    %dma_wait3A_103 = arith.constant 0 : i32
    %dma_wait3A_104 = arith.constant 64 : i32
    %dma_wait3A_105 = tpu.memref_slice %arg8[%dma_wait3A_94, %dma_wait3A_103, %dma_wait3A_104] : memref<2x128x128xf32, #tpu.memory_space<vmem>> -> memref<1x128x64xf32, #tpu.memory_space<vmem>>
    %dma_wait3A_106 = tpu.memref_squeeze %dma_wait3A_105 : memref<1x128x64xf32, #tpu.memory_space<vmem>> -> memref<128x64xf32, #tpu.memory_space<vmem>>
    tpu.wait_dma2 semaphore(%arg10 : memref<!tpu.dma_semaphore, #tpu.memory_space<semaphore_mem>>) src(%dma_wait3A_106 : memref<128x64xf32, #tpu.memory_space<vmem>>) dst(%dma_wait3A_102 : memref<128x64xf32, #tpu.memory_space<hbm>>)
    %dma_start3A_107 = arith.constant 1 : i32
    %dma_start3A_108 = arith.constant 0 : i32
    %dma_start3A_109 = arith.constant 0 : i32
    %dma_start3A_110 = arith.constant 0 : i32
    %dma_start3A_111 = tpu.memref_slice %arg8[%dma_start3A_108, %dma_start3A_109, %dma_start3A_110] : memref<2x128x128xf32, #tpu.memory_space<vmem>> -> memref<1x128x128xf32, #tpu.memory_space<vmem>>
    %dma_start3A_112 = tpu.memref_squeeze %dma_start3A_111 : memref<1x128x128xf32, #tpu.memory_space<vmem>> -> memref<128x128xf32, #tpu.memory_space<vmem>>
    %dma_start3A_113 = arith.constant 0 : i32
    %dma_start3A_114 = tpu.memref_slice %arg6[%dma_start3A_107, %dma_start3A_113] : memref<4x128xi32, #tpu.memory_space<vmem>> -> memref<1x128xi32, #tpu.memory_space<vmem>>
    %dma_start3A_115 = tpu.memref_squeeze %dma_start3A_114 : memref<1x128xi32, #tpu.memory_space<vmem>> -> memref<128xi32, #tpu.memory_space<vmem>>
    %dma_start3A_116 = arith.constant 0 : i32
    %dma_start3A_117 = arith.constant 0 : i32
    %dma_start3A_118 = tpu.memref_slice %arg4[%dma_start3A_116, %dma_start3A_117] : memref<100000x128xf32, #tpu.memory_space<hbm>> -> memref<100000x128xf32, #tpu.memory_space<hbm>>
    tpu.enqueue_indirect_dma source(%dma_start3A_118 : memref<100000x128xf32, #tpu.memory_space<hbm>>) target(%dma_start3A_112 : memref<128x128xf32, #tpu.memory_space<vmem>>) offsets(%dma_start3A_115 : memref<128xi32, #tpu.memory_space<vmem>>) semaphore(%arg9 : memref<!tpu.dma_semaphore, #tpu.memory_space<semaphore_mem>>)
    %dma_start3A_119 = arith.constant 1 : i32
    %dma_start3A_120 = arith.constant 1 : i32
    %dma_start3A_121 = arith.constant 0 : i32
    %dma_start3A_122 = arith.constant 0 : i32
    %dma_start3A_123 = tpu.memref_slice %arg8[%dma_start3A_120, %dma_start3A_121, %dma_start3A_122] : memref<2x128x128xf32, #tpu.memory_space<vmem>> -> memref<1x128x128xf32, #tpu.memory_space<vmem>>
    %dma_start3A_124 = tpu.memref_squeeze %dma_start3A_123 : memref<1x128x128xf32, #tpu.memory_space<vmem>> -> memref<128x128xf32, #tpu.memory_space<vmem>>
    %dma_start3A_125 = arith.constant 0 : i32
    %dma_start3A_126 = tpu.memref_slice %arg7[%dma_start3A_119, %dma_start3A_125] : memref<4x128xi32, #tpu.memory_space<vmem>> -> memref<1x128xi32, #tpu.memory_space<vmem>>
    %dma_start3A_127 = tpu.memref_squeeze %dma_start3A_126 : memref<1x128xi32, #tpu.memory_space<vmem>> -> memref<128xi32, #tpu.memory_space<vmem>>
    %dma_start3A_128 = arith.constant 0 : i32
    %dma_start3A_129 = arith.constant 0 : i32
    %dma_start3A_130 = tpu.memref_slice %arg4[%dma_start3A_128, %dma_start3A_129] : memref<100000x128xf32, #tpu.memory_space<hbm>> -> memref<100000x128xf32, #tpu.memory_space<hbm>>
    tpu.enqueue_indirect_dma source(%dma_start3A_130 : memref<100000x128xf32, #tpu.memory_space<hbm>>) target(%dma_start3A_124 : memref<128x128xf32, #tpu.memory_space<vmem>>) offsets(%dma_start3A_127 : memref<128xi32, #tpu.memory_space<vmem>>) semaphore(%arg9 : memref<!tpu.dma_semaphore, #tpu.memory_space<semaphore_mem>>)
    %mul3A_131 = arith.constant 512 : i32
    %mul3A_132 = arith.muli %add3A, %mul3A_131 : i32
    %add3A_133 = arith.constant 128 : i32
    %add3A_134 = arith.addi %mul3A_132, %add3A_133 : i32
    %dma_wait3A_135 = arith.constant 1 : i32
    %dma_wait3A_136 = arith.constant 0 : i32
    %dma_wait3A_137 = arith.constant 0 : i32
    %dma_wait3A_138 = arith.constant 0 : i32
    %dma_wait3A_139 = tpu.memref_slice %arg8[%dma_wait3A_136, %dma_wait3A_137, %dma_wait3A_138] : memref<2x128x128xf32, #tpu.memory_space<vmem>> -> memref<1x128x128xf32, #tpu.memory_space<vmem>>
    %dma_wait3A_140 = tpu.memref_squeeze %dma_wait3A_139 : memref<1x128x128xf32, #tpu.memory_space<vmem>> -> memref<128x128xf32, #tpu.memory_space<vmem>>
    %dma_wait3A_141 = arith.constant 0 : i32
    %dma_wait3A_142 = tpu.memref_slice %arg6[%dma_wait3A_135, %dma_wait3A_141] : memref<4x128xi32, #tpu.memory_space<vmem>> -> memref<1x128xi32, #tpu.memory_space<vmem>>
    %dma_wait3A_143 = tpu.memref_squeeze %dma_wait3A_142 : memref<1x128xi32, #tpu.memory_space<vmem>> -> memref<128xi32, #tpu.memory_space<vmem>>
    %dma_wait3A_144 = arith.constant 0 : i32
    %dma_wait3A_145 = arith.constant 0 : i32
    %dma_wait3A_146 = tpu.memref_slice %arg4[%dma_wait3A_144, %dma_wait3A_145] : memref<100000x128xf32, #tpu.memory_space<hbm>> -> memref<100000x128xf32, #tpu.memory_space<hbm>>
    tpu.wait_indirect_dma semaphore(%arg9 : memref<!tpu.dma_semaphore, #tpu.memory_space<semaphore_mem>>) src(%dma_wait3A_146 : memref<100000x128xf32, #tpu.memory_space<hbm>>) dst(%dma_wait3A_140 : memref<128x128xf32, #tpu.memory_space<vmem>>)
    %dma_start3A_147 = arith.constant 0 : i32
    %dma_start3A_148 = arith.constant 0 : i32
    %dma_start3A_149 = arith.constant 0 : i32
    %dma_start3A_150 = tpu.memref_slice %arg8[%dma_start3A_147, %dma_start3A_148, %dma_start3A_149] : memref<2x128x128xf32, #tpu.memory_space<vmem>> -> memref<1x128x64xf32, #tpu.memory_space<vmem>>
    %dma_start3A_151 = tpu.memref_squeeze %dma_start3A_150 : memref<1x128x64xf32, #tpu.memory_space<vmem>> -> memref<128x64xf32, #tpu.memory_space<vmem>>
    %dma_start3A_152 = arith.constant 0 : i32
    %dma_start3A_153 = tpu.memref_slice %arg5[%add3A_134, %dma_start3A_152] : memref<16384x128xf32, #tpu.memory_space<hbm>> -> memref<128x64xf32, #tpu.memory_space<hbm>>
    %dma_start3A_154 = arith.constant 0 : i32
    %dma_start3A_155 = tpu.memref_slice %arg5[%add3A_134, %dma_start3A_154] : memref<16384x128xf32, #tpu.memory_space<hbm>> -> memref<128x64xf32, #tpu.memory_space<hbm>>
    %dma_start3A_156 = arith.constant 0 : i32
    %dma_start3A_157 = arith.constant 0 : i32
    %dma_start3A_158 = tpu.memref_slice %arg8[%dma_start3A_147, %dma_start3A_156, %dma_start3A_157] : memref<2x128x128xf32, #tpu.memory_space<vmem>> -> memref<1x128x64xf32, #tpu.memory_space<vmem>>
    %dma_start3A_159 = tpu.memref_squeeze %dma_start3A_158 : memref<1x128x64xf32, #tpu.memory_space<vmem>> -> memref<128x64xf32, #tpu.memory_space<vmem>>
    tpu.enqueue_dma source(%dma_start3A_159 : memref<128x64xf32, #tpu.memory_space<vmem>>) target(%dma_start3A_155 : memref<128x64xf32, #tpu.memory_space<hbm>>) target_semaphore(%arg10 : memref<!tpu.dma_semaphore, #tpu.memory_space<semaphore_mem>>)
    %dma_wait3A_160 = arith.constant 1 : i32
    %dma_wait3A_161 = arith.constant 1 : i32
    %dma_wait3A_162 = arith.constant 0 : i32
    %dma_wait3A_163 = arith.constant 0 : i32
    %dma_wait3A_164 = tpu.memref_slice %arg8[%dma_wait3A_161, %dma_wait3A_162, %dma_wait3A_163] : memref<2x128x128xf32, #tpu.memory_space<vmem>> -> memref<1x128x128xf32, #tpu.memory_space<vmem>>
    %dma_wait3A_165 = tpu.memref_squeeze %dma_wait3A_164 : memref<1x128x128xf32, #tpu.memory_space<vmem>> -> memref<128x128xf32, #tpu.memory_space<vmem>>
    %dma_wait3A_166 = arith.constant 0 : i32
    %dma_wait3A_167 = tpu.memref_slice %arg7[%dma_wait3A_160, %dma_wait3A_166] : memref<4x128xi32, #tpu.memory_space<vmem>> -> memref<1x128xi32, #tpu.memory_space<vmem>>
    %dma_wait3A_168 = tpu.memref_squeeze %dma_wait3A_167 : memref<1x128xi32, #tpu.memory_space<vmem>> -> memref<128xi32, #tpu.memory_space<vmem>>
    %dma_wait3A_169 = arith.constant 0 : i32
    %dma_wait3A_170 = arith.constant 0 : i32
    %dma_wait3A_171 = tpu.memref_slice %arg4[%dma_wait3A_169, %dma_wait3A_170] : memref<100000x128xf32, #tpu.memory_space<hbm>> -> memref<100000x128xf32, #tpu.memory_space<hbm>>
    tpu.wait_indirect_dma semaphore(%arg9 : memref<!tpu.dma_semaphore, #tpu.memory_space<semaphore_mem>>) src(%dma_wait3A_171 : memref<100000x128xf32, #tpu.memory_space<hbm>>) dst(%dma_wait3A_165 : memref<128x128xf32, #tpu.memory_space<vmem>>)
    %dma_start3A_172 = arith.constant 1 : i32
    %dma_start3A_173 = arith.constant 0 : i32
    %dma_start3A_174 = arith.constant 64 : i32
    %dma_start3A_175 = tpu.memref_slice %arg8[%dma_start3A_172, %dma_start3A_173, %dma_start3A_174] : memref<2x128x128xf32, #tpu.memory_space<vmem>> -> memref<1x128x64xf32, #tpu.memory_space<vmem>>
    %dma_start3A_176 = tpu.memref_squeeze %dma_start3A_175 : memref<1x128x64xf32, #tpu.memory_space<vmem>> -> memref<128x64xf32, #tpu.memory_space<vmem>>
    %dma_start3A_177 = arith.constant 64 : i32
    %dma_start3A_178 = tpu.memref_slice %arg5[%add3A_134, %dma_start3A_177] : memref<16384x128xf32, #tpu.memory_space<hbm>> -> memref<128x64xf32, #tpu.memory_space<hbm>>
    %dma_start3A_179 = arith.constant 64 : i32
    %dma_start3A_180 = tpu.memref_slice %arg5[%add3A_134, %dma_start3A_179] : memref<16384x128xf32, #tpu.memory_space<hbm>> -> memref<128x64xf32, #tpu.memory_space<hbm>>
    %dma_start3A_181 = arith.constant 0 : i32
    %dma_start3A_182 = arith.constant 64 : i32
    %dma_start3A_183 = tpu.memref_slice %arg8[%dma_start3A_172, %dma_start3A_181, %dma_start3A_182] : memref<2x128x128xf32, #tpu.memory_space<vmem>> -> memref<1x128x64xf32, #tpu.memory_space<vmem>>
    %dma_start3A_184 = tpu.memref_squeeze %dma_start3A_183 : memref<1x128x64xf32, #tpu.memory_space<vmem>> -> memref<128x64xf32, #tpu.memory_space<vmem>>
    tpu.enqueue_dma source(%dma_start3A_184 : memref<128x64xf32, #tpu.memory_space<vmem>>) target(%dma_start3A_180 : memref<128x64xf32, #tpu.memory_space<hbm>>) target_semaphore(%arg10 : memref<!tpu.dma_semaphore, #tpu.memory_space<semaphore_mem>>)
    %dma_wait3A_185 = arith.constant 0 : i32
    %dma_wait3A_186 = arith.constant 0 : i32
    %dma_wait3A_187 = arith.constant 0 : i32
    %dma_wait3A_188 = tpu.memref_slice %arg8[%dma_wait3A_185, %dma_wait3A_186, %dma_wait3A_187] : memref<2x128x128xf32, #tpu.memory_space<vmem>> -> memref<1x128x64xf32, #tpu.memory_space<vmem>>
    %dma_wait3A_189 = tpu.memref_squeeze %dma_wait3A_188 : memref<1x128x64xf32, #tpu.memory_space<vmem>> -> memref<128x64xf32, #tpu.memory_space<vmem>>
    %dma_wait3A_190 = arith.constant 0 : i32
    %dma_wait3A_191 = tpu.memref_slice %arg5[%add3A_134, %dma_wait3A_190] : memref<16384x128xf32, #tpu.memory_space<hbm>> -> memref<128x64xf32, #tpu.memory_space<hbm>>
    %dma_wait3A_192 = arith.constant 0 : i32
    %dma_wait3A_193 = tpu.memref_slice %arg5[%add3A_134, %dma_wait3A_192] : memref<16384x128xf32, #tpu.memory_space<hbm>> -> memref<128x64xf32, #tpu.memory_space<hbm>>
    %dma_wait3A_194 = arith.constant 0 : i32
    %dma_wait3A_195 = arith.constant 0 : i32
    %dma_wait3A_196 = tpu.memref_slice %arg8[%dma_wait3A_185, %dma_wait3A_194, %dma_wait3A_195] : memref<2x128x128xf32, #tpu.memory_space<vmem>> -> memref<1x128x64xf32, #tpu.memory_space<vmem>>
    %dma_wait3A_197 = tpu.memref_squeeze %dma_wait3A_196 : memref<1x128x64xf32, #tpu.memory_space<vmem>> -> memref<128x64xf32, #tpu.memory_space<vmem>>
    tpu.wait_dma2 semaphore(%arg10 : memref<!tpu.dma_semaphore, #tpu.memory_space<semaphore_mem>>) src(%dma_wait3A_197 : memref<128x64xf32, #tpu.memory_space<vmem>>) dst(%dma_wait3A_193 : memref<128x64xf32, #tpu.memory_space<hbm>>)
    %dma_wait3A_198 = arith.constant 1 : i32
    %dma_wait3A_199 = arith.constant 0 : i32
    %dma_wait3A_200 = arith.constant 64 : i32
    %dma_wait3A_201 = tpu.memref_slice %arg8[%dma_wait3A_198, %dma_wait3A_199, %dma_wait3A_200] : memref<2x128x128xf32, #tpu.memory_space<vmem>> -> memref<1x128x64xf32, #tpu.memory_space<vmem>>
    %dma_wait3A_202 = tpu.memref_squeeze %dma_wait3A_201 : memref<1x128x64xf32, #tpu.memory_space<vmem>> -> memref<128x64xf32, #tpu.memory_space<vmem>>
    %dma_wait3A_203 = arith.constant 64 : i32
    %dma_wait3A_204 = tpu.memref_slice %arg5[%add3A_134, %dma_wait3A_203] : memref<16384x128xf32, #tpu.memory_space<hbm>> -> memref<128x64xf32, #tpu.memory_space<hbm>>
    %dma_wait3A_205 = arith.constant 64 : i32
    %dma_wait3A_206 = tpu.memref_slice %arg5[%add3A_134, %dma_wait3A_205] : memref<16384x128xf32, #tpu.memory_space<hbm>> -> memref<128x64xf32, #tpu.memory_space<hbm>>
    %dma_wait3A_207 = arith.constant 0 : i32
    %dma_wait3A_208 = arith.constant 64 : i32
    %dma_wait3A_209 = tpu.memref_slice %arg8[%dma_wait3A_198, %dma_wait3A_207, %dma_wait3A_208] : memref<2x128x128xf32, #tpu.memory_space<vmem>> -> memref<1x128x64xf32, #tpu.memory_space<vmem>>
    %dma_wait3A_210 = tpu.memref_squeeze %dma_wait3A_209 : memref<1x128x64xf32, #tpu.memory_space<vmem>> -> memref<128x64xf32, #tpu.memory_space<vmem>>
    tpu.wait_dma2 semaphore(%arg10 : memref<!tpu.dma_semaphore, #tpu.memory_space<semaphore_mem>>) src(%dma_wait3A_210 : memref<128x64xf32, #tpu.memory_space<vmem>>) dst(%dma_wait3A_206 : memref<128x64xf32, #tpu.memory_space<hbm>>)
    %dma_start3A_211 = arith.constant 2 : i32
    %dma_start3A_212 = arith.constant 0 : i32
    %dma_start3A_213 = arith.constant 0 : i32
    %dma_start3A_214 = arith.constant 0 : i32
    %dma_start3A_215 = tpu.memref_slice %arg8[%dma_start3A_212, %dma_start3A_213, %dma_start3A_214] : memref<2x128x128xf32, #tpu.memory_space<vmem>> -> memref<1x128x128xf32, #tpu.memory_space<vmem>>
    %dma_start3A_216 = tpu.memref_squeeze %dma_start3A_215 : memref<1x128x128xf32, #tpu.memory_space<vmem>> -> memref<128x128xf32, #tpu.memory_space<vmem>>
    %dma_start3A_217 = arith.constant 0 : i32
    %dma_start3A_218 = tpu.memref_slice %arg6[%dma_start3A_211, %dma_start3A_217] : memref<4x128xi32, #tpu.memory_space<vmem>> -> memref<1x128xi32, #tpu.memory_space<vmem>>
    %dma_start3A_219 = tpu.memref_squeeze %dma_start3A_218 : memref<1x128xi32, #tpu.memory_space<vmem>> -> memref<128xi32, #tpu.memory_space<vmem>>
    %dma_start3A_220 = arith.constant 0 : i32
    %dma_start3A_221 = arith.constant 0 : i32
    %dma_start3A_222 = tpu.memref_slice %arg4[%dma_start3A_220, %dma_start3A_221] : memref<100000x128xf32, #tpu.memory_space<hbm>> -> memref<100000x128xf32, #tpu.memory_space<hbm>>
    tpu.enqueue_indirect_dma source(%dma_start3A_222 : memref<100000x128xf32, #tpu.memory_space<hbm>>) target(%dma_start3A_216 : memref<128x128xf32, #tpu.memory_space<vmem>>) offsets(%dma_start3A_219 : memref<128xi32, #tpu.memory_space<vmem>>) semaphore(%arg9 : memref<!tpu.dma_semaphore, #tpu.memory_space<semaphore_mem>>)
    %dma_start3A_223 = arith.constant 2 : i32
    %dma_start3A_224 = arith.constant 1 : i32
    %dma_start3A_225 = arith.constant 0 : i32
    %dma_start3A_226 = arith.constant 0 : i32
    %dma_start3A_227 = tpu.memref_slice %arg8[%dma_start3A_224, %dma_start3A_225, %dma_start3A_226] : memref<2x128x128xf32, #tpu.memory_space<vmem>> -> memref<1x128x128xf32, #tpu.memory_space<vmem>>
    %dma_start3A_228 = tpu.memref_squeeze %dma_start3A_227 : memref<1x128x128xf32, #tpu.memory_space<vmem>> -> memref<128x128xf32, #tpu.memory_space<vmem>>
    %dma_start3A_229 = arith.constant 0 : i32
    %dma_start3A_230 = tpu.memref_slice %arg7[%dma_start3A_223, %dma_start3A_229] : memref<4x128xi32, #tpu.memory_space<vmem>> -> memref<1x128xi32, #tpu.memory_space<vmem>>
    %dma_start3A_231 = tpu.memref_squeeze %dma_start3A_230 : memref<1x128xi32, #tpu.memory_space<vmem>> -> memref<128xi32, #tpu.memory_space<vmem>>
    %dma_start3A_232 = arith.constant 0 : i32
    %dma_start3A_233 = arith.constant 0 : i32
    %dma_start3A_234 = tpu.memref_slice %arg4[%dma_start3A_232, %dma_start3A_233] : memref<100000x128xf32, #tpu.memory_space<hbm>> -> memref<100000x128xf32, #tpu.memory_space<hbm>>
    tpu.enqueue_indirect_dma source(%dma_start3A_234 : memref<100000x128xf32, #tpu.memory_space<hbm>>) target(%dma_start3A_228 : memref<128x128xf32, #tpu.memory_space<vmem>>) offsets(%dma_start3A_231 : memref<128xi32, #tpu.memory_space<vmem>>) semaphore(%arg9 : memref<!tpu.dma_semaphore, #tpu.memory_space<semaphore_mem>>)
    %mul3A_235 = arith.constant 512 : i32
    %mul3A_236 = arith.muli %add3A, %mul3A_235 : i32
    %add3A_237 = arith.constant 256 : i32
    %add3A_238 = arith.addi %mul3A_236, %add3A_237 : i32
    %dma_wait3A_239 = arith.constant 2 : i32
    %dma_wait3A_240 = arith.constant 0 : i32
    %dma_wait3A_241 = arith.constant 0 : i32
    %dma_wait3A_242 = arith.constant 0 : i32
    %dma_wait3A_243 = tpu.memref_slice %arg8[%dma_wait3A_240, %dma_wait3A_241, %dma_wait3A_242] : memref<2x128x128xf32, #tpu.memory_space<vmem>> -> memref<1x128x128xf32, #tpu.memory_space<vmem>>
    %dma_wait3A_244 = tpu.memref_squeeze %dma_wait3A_243 : memref<1x128x128xf32, #tpu.memory_space<vmem>> -> memref<128x128xf32, #tpu.memory_space<vmem>>
    %dma_wait3A_245 = arith.constant 0 : i32
    %dma_wait3A_246 = tpu.memref_slice %arg6[%dma_wait3A_239, %dma_wait3A_245] : memref<4x128xi32, #tpu.memory_space<vmem>> -> memref<1x128xi32, #tpu.memory_space<vmem>>
    %dma_wait3A_247 = tpu.memref_squeeze %dma_wait3A_246 : memref<1x128xi32, #tpu.memory_space<vmem>> -> memref<128xi32, #tpu.memory_space<vmem>>
    %dma_wait3A_248 = arith.constant 0 : i32
    %dma_wait3A_249 = arith.constant 0 : i32
    %dma_wait3A_250 = tpu.memref_slice %arg4[%dma_wait3A_248, %dma_wait3A_249] : memref<100000x128xf32, #tpu.memory_space<hbm>> -> memref<100000x128xf32, #tpu.memory_space<hbm>>
    tpu.wait_indirect_dma semaphore(%arg9 : memref<!tpu.dma_semaphore, #tpu.memory_space<semaphore_mem>>) src(%dma_wait3A_250 : memref<100000x128xf32, #tpu.memory_space<hbm>>) dst(%dma_wait3A_244 : memref<128x128xf32, #tpu.memory_space<vmem>>)
    %dma_start3A_251 = arith.constant 0 : i32
    %dma_start3A_252 = arith.constant 0 : i32
    %dma_start3A_253 = arith.constant 0 : i32
    %dma_start3A_254 = tpu.memref_slice %arg8[%dma_start3A_251, %dma_start3A_252, %dma_start3A_253] : memref<2x128x128xf32, #tpu.memory_space<vmem>> -> memref<1x128x64xf32, #tpu.memory_space<vmem>>
    %dma_start3A_255 = tpu.memref_squeeze %dma_start3A_254 : memref<1x128x64xf32, #tpu.memory_space<vmem>> -> memref<128x64xf32, #tpu.memory_space<vmem>>
    %dma_start3A_256 = arith.constant 0 : i32
    %dma_start3A_257 = tpu.memref_slice %arg5[%add3A_238, %dma_start3A_256] : memref<16384x128xf32, #tpu.memory_space<hbm>> -> memref<128x64xf32, #tpu.memory_space<hbm>>
    %dma_start3A_258 = arith.constant 0 : i32
    %dma_start3A_259 = tpu.memref_slice %arg5[%add3A_238, %dma_start3A_258] : memref<16384x128xf32, #tpu.memory_space<hbm>> -> memref<128x64xf32, #tpu.memory_space<hbm>>
    %dma_start3A_260 = arith.constant 0 : i32
    %dma_start3A_261 = arith.constant 0 : i32
    %dma_start3A_262 = tpu.memref_slice %arg8[%dma_start3A_251, %dma_start3A_260, %dma_start3A_261] : memref<2x128x128xf32, #tpu.memory_space<vmem>> -> memref<1x128x64xf32, #tpu.memory_space<vmem>>
    %dma_start3A_263 = tpu.memref_squeeze %dma_start3A_262 : memref<1x128x64xf32, #tpu.memory_space<vmem>> -> memref<128x64xf32, #tpu.memory_space<vmem>>
    tpu.enqueue_dma source(%dma_start3A_263 : memref<128x64xf32, #tpu.memory_space<vmem>>) target(%dma_start3A_259 : memref<128x64xf32, #tpu.memory_space<hbm>>) target_semaphore(%arg10 : memref<!tpu.dma_semaphore, #tpu.memory_space<semaphore_mem>>)
    %dma_wait3A_264 = arith.constant 2 : i32
    %dma_wait3A_265 = arith.constant 1 : i32
    %dma_wait3A_266 = arith.constant 0 : i32
    %dma_wait3A_267 = arith.constant 0 : i32
    %dma_wait3A_268 = tpu.memref_slice %arg8[%dma_wait3A_265, %dma_wait3A_266, %dma_wait3A_267] : memref<2x128x128xf32, #tpu.memory_space<vmem>> -> memref<1x128x128xf32, #tpu.memory_space<vmem>>
    %dma_wait3A_269 = tpu.memref_squeeze %dma_wait3A_268 : memref<1x128x128xf32, #tpu.memory_space<vmem>> -> memref<128x128xf32, #tpu.memory_space<vmem>>
    %dma_wait3A_270 = arith.constant 0 : i32
    %dma_wait3A_271 = tpu.memref_slice %arg7[%dma_wait3A_264, %dma_wait3A_270] : memref<4x128xi32, #tpu.memory_space<vmem>> -> memref<1x128xi32, #tpu.memory_space<vmem>>
    %dma_wait3A_272 = tpu.memref_squeeze %dma_wait3A_271 : memref<1x128xi32, #tpu.memory_space<vmem>> -> memref<128xi32, #tpu.memory_space<vmem>>
    %dma_wait3A_273 = arith.constant 0 : i32
    %dma_wait3A_274 = arith.constant 0 : i32
    %dma_wait3A_275 = tpu.memref_slice %arg4[%dma_wait3A_273, %dma_wait3A_274] : memref<100000x128xf32, #tpu.memory_space<hbm>> -> memref<100000x128xf32, #tpu.memory_space<hbm>>
    tpu.wait_indirect_dma semaphore(%arg9 : memref<!tpu.dma_semaphore, #tpu.memory_space<semaphore_mem>>) src(%dma_wait3A_275 : memref<100000x128xf32, #tpu.memory_space<hbm>>) dst(%dma_wait3A_269 : memref<128x128xf32, #tpu.memory_space<vmem>>)
    %dma_start3A_276 = arith.constant 1 : i32
    %dma_start3A_277 = arith.constant 0 : i32
    %dma_start3A_278 = arith.constant 64 : i32
    %dma_start3A_279 = tpu.memref_slice %arg8[%dma_start3A_276, %dma_start3A_277, %dma_start3A_278] : memref<2x128x128xf32, #tpu.memory_space<vmem>> -> memref<1x128x64xf32, #tpu.memory_space<vmem>>
    %dma_start3A_280 = tpu.memref_squeeze %dma_start3A_279 : memref<1x128x64xf32, #tpu.memory_space<vmem>> -> memref<128x64xf32, #tpu.memory_space<vmem>>
    %dma_start3A_281 = arith.constant 64 : i32
    %dma_start3A_282 = tpu.memref_slice %arg5[%add3A_238, %dma_start3A_281] : memref<16384x128xf32, #tpu.memory_space<hbm>> -> memref<128x64xf32, #tpu.memory_space<hbm>>
    %dma_start3A_283 = arith.constant 64 : i32
    %dma_start3A_284 = tpu.memref_slice %arg5[%add3A_238, %dma_start3A_283] : memref<16384x128xf32, #tpu.memory_space<hbm>> -> memref<128x64xf32, #tpu.memory_space<hbm>>
    %dma_start3A_285 = arith.constant 0 : i32
    %dma_start3A_286 = arith.constant 64 : i32
    %dma_start3A_287 = tpu.memref_slice %arg8[%dma_start3A_276, %dma_start3A_285, %dma_start3A_286] : memref<2x128x128xf32, #tpu.memory_space<vmem>> -> memref<1x128x64xf32, #tpu.memory_space<vmem>>
    %dma_start3A_288 = tpu.memref_squeeze %dma_start3A_287 : memref<1x128x64xf32, #tpu.memory_space<vmem>> -> memref<128x64xf32, #tpu.memory_space<vmem>>
    tpu.enqueue_dma source(%dma_start3A_288 : memref<128x64xf32, #tpu.memory_space<vmem>>) target(%dma_start3A_284 : memref<128x64xf32, #tpu.memory_space<hbm>>) target_semaphore(%arg10 : memref<!tpu.dma_semaphore, #tpu.memory_space<semaphore_mem>>)
    %dma_wait3A_289 = arith.constant 0 : i32
    %dma_wait3A_290 = arith.constant 0 : i32
    %dma_wait3A_291 = arith.constant 0 : i32
    %dma_wait3A_292 = tpu.memref_slice %arg8[%dma_wait3A_289, %dma_wait3A_290, %dma_wait3A_291] : memref<2x128x128xf32, #tpu.memory_space<vmem>> -> memref<1x128x64xf32, #tpu.memory_space<vmem>>
    %dma_wait3A_293 = tpu.memref_squeeze %dma_wait3A_292 : memref<1x128x64xf32, #tpu.memory_space<vmem>> -> memref<128x64xf32, #tpu.memory_space<vmem>>
    %dma_wait3A_294 = arith.constant 0 : i32
    %dma_wait3A_295 = tpu.memref_slice %arg5[%add3A_238, %dma_wait3A_294] : memref<16384x128xf32, #tpu.memory_space<hbm>> -> memref<128x64xf32, #tpu.memory_space<hbm>>
    %dma_wait3A_296 = arith.constant 0 : i32
    %dma_wait3A_297 = tpu.memref_slice %arg5[%add3A_238, %dma_wait3A_296] : memref<16384x128xf32, #tpu.memory_space<hbm>> -> memref<128x64xf32, #tpu.memory_space<hbm>>
    %dma_wait3A_298 = arith.constant 0 : i32
    %dma_wait3A_299 = arith.constant 0 : i32
    %dma_wait3A_300 = tpu.memref_slice %arg8[%dma_wait3A_289, %dma_wait3A_298, %dma_wait3A_299] : memref<2x128x128xf32, #tpu.memory_space<vmem>> -> memref<1x128x64xf32, #tpu.memory_space<vmem>>
    %dma_wait3A_301 = tpu.memref_squeeze %dma_wait3A_300 : memref<1x128x64xf32, #tpu.memory_space<vmem>> -> memref<128x64xf32, #tpu.memory_space<vmem>>
    tpu.wait_dma2 semaphore(%arg10 : memref<!tpu.dma_semaphore, #tpu.memory_space<semaphore_mem>>) src(%dma_wait3A_301 : memref<128x64xf32, #tpu.memory_space<vmem>>) dst(%dma_wait3A_297 : memref<128x64xf32, #tpu.memory_space<hbm>>)
    %dma_wait3A_302 = arith.constant 1 : i32
    %dma_wait3A_303 = arith.constant 0 : i32
    %dma_wait3A_304 = arith.constant 64 : i32
    %dma_wait3A_305 = tpu.memref_slice %arg8[%dma_wait3A_302, %dma_wait3A_303, %dma_wait3A_304] : memref<2x128x128xf32, #tpu.memory_space<vmem>> -> memref<1x128x64xf32, #tpu.memory_space<vmem>>
    %dma_wait3A_306 = tpu.memref_squeeze %dma_wait3A_305 : memref<1x128x64xf32, #tpu.memory_space<vmem>> -> memref<128x64xf32, #tpu.memory_space<vmem>>
    %dma_wait3A_307 = arith.constant 64 : i32
    %dma_wait3A_308 = tpu.memref_slice %arg5[%add3A_238, %dma_wait3A_307] : memref<16384x128xf32, #tpu.memory_space<hbm>> -> memref<128x64xf32, #tpu.memory_space<hbm>>
    %dma_wait3A_309 = arith.constant 64 : i32
    %dma_wait3A_310 = tpu.memref_slice %arg5[%add3A_238, %dma_wait3A_309] : memref<16384x128xf32, #tpu.memory_space<hbm>> -> memref<128x64xf32, #tpu.memory_space<hbm>>
    %dma_wait3A_311 = arith.constant 0 : i32
    %dma_wait3A_312 = arith.constant 64 : i32
    %dma_wait3A_313 = tpu.memref_slice %arg8[%dma_wait3A_302, %dma_wait3A_311, %dma_wait3A_312] : memref<2x128x128xf32, #tpu.memory_space<vmem>> -> memref<1x128x64xf32, #tpu.memory_space<vmem>>
    %dma_wait3A_314 = tpu.memref_squeeze %dma_wait3A_313 : memref<1x128x64xf32, #tpu.memory_space<vmem>> -> memref<128x64xf32, #tpu.memory_space<vmem>>
    tpu.wait_dma2 semaphore(%arg10 : memref<!tpu.dma_semaphore, #tpu.memory_space<semaphore_mem>>) src(%dma_wait3A_314 : memref<128x64xf32, #tpu.memory_space<vmem>>) dst(%dma_wait3A_310 : memref<128x64xf32, #tpu.memory_space<hbm>>)
    %dma_start3A_315 = arith.constant 3 : i32
    %dma_start3A_316 = arith.constant 0 : i32
    %dma_start3A_317 = arith.constant 0 : i32
    %dma_start3A_318 = arith.constant 0 : i32
    %dma_start3A_319 = tpu.memref_slice %arg8[%dma_start3A_316, %dma_start3A_317, %dma_start3A_318] : memref<2x128x128xf32, #tpu.memory_space<vmem>> -> memref<1x128x128xf32, #tpu.memory_space<vmem>>
    %dma_start3A_320 = tpu.memref_squeeze %dma_start3A_319 : memref<1x128x128xf32, #tpu.memory_space<vmem>> -> memref<128x128xf32, #tpu.memory_space<vmem>>
    %dma_start3A_321 = arith.constant 0 : i32
    %dma_start3A_322 = tpu.memref_slice %arg6[%dma_start3A_315, %dma_start3A_321] : memref<4x128xi32, #tpu.memory_space<vmem>> -> memref<1x128xi32, #tpu.memory_space<vmem>>
    %dma_start3A_323 = tpu.memref_squeeze %dma_start3A_322 : memref<1x128xi32, #tpu.memory_space<vmem>> -> memref<128xi32, #tpu.memory_space<vmem>>
    %dma_start3A_324 = arith.constant 0 : i32
    %dma_start3A_325 = arith.constant 0 : i32
    %dma_start3A_326 = tpu.memref_slice %arg4[%dma_start3A_324, %dma_start3A_325] : memref<100000x128xf32, #tpu.memory_space<hbm>> -> memref<100000x128xf32, #tpu.memory_space<hbm>>
    tpu.enqueue_indirect_dma source(%dma_start3A_326 : memref<100000x128xf32, #tpu.memory_space<hbm>>) target(%dma_start3A_320 : memref<128x128xf32, #tpu.memory_space<vmem>>) offsets(%dma_start3A_323 : memref<128xi32, #tpu.memory_space<vmem>>) semaphore(%arg9 : memref<!tpu.dma_semaphore, #tpu.memory_space<semaphore_mem>>)
    %dma_start3A_327 = arith.constant 3 : i32
    %dma_start3A_328 = arith.constant 1 : i32
    %dma_start3A_329 = arith.constant 0 : i32
    %dma_start3A_330 = arith.constant 0 : i32
    %dma_start3A_331 = tpu.memref_slice %arg8[%dma_start3A_328, %dma_start3A_329, %dma_start3A_330] : memref<2x128x128xf32, #tpu.memory_space<vmem>> -> memref<1x128x128xf32, #tpu.memory_space<vmem>>
    %dma_start3A_332 = tpu.memref_squeeze %dma_start3A_331 : memref<1x128x128xf32, #tpu.memory_space<vmem>> -> memref<128x128xf32, #tpu.memory_space<vmem>>
    %dma_start3A_333 = arith.constant 0 : i32
    %dma_start3A_334 = tpu.memref_slice %arg7[%dma_start3A_327, %dma_start3A_333] : memref<4x128xi32, #tpu.memory_space<vmem>> -> memref<1x128xi32, #tpu.memory_space<vmem>>
    %dma_start3A_335 = tpu.memref_squeeze %dma_start3A_334 : memref<1x128xi32, #tpu.memory_space<vmem>> -> memref<128xi32, #tpu.memory_space<vmem>>
    %dma_start3A_336 = arith.constant 0 : i32
    %dma_start3A_337 = arith.constant 0 : i32
    %dma_start3A_338 = tpu.memref_slice %arg4[%dma_start3A_336, %dma_start3A_337] : memref<100000x128xf32, #tpu.memory_space<hbm>> -> memref<100000x128xf32, #tpu.memory_space<hbm>>
    tpu.enqueue_indirect_dma source(%dma_start3A_338 : memref<100000x128xf32, #tpu.memory_space<hbm>>) target(%dma_start3A_332 : memref<128x128xf32, #tpu.memory_space<vmem>>) offsets(%dma_start3A_335 : memref<128xi32, #tpu.memory_space<vmem>>) semaphore(%arg9 : memref<!tpu.dma_semaphore, #tpu.memory_space<semaphore_mem>>)
    %mul3A_339 = arith.constant 512 : i32
    %mul3A_340 = arith.muli %add3A, %mul3A_339 : i32
    %add3A_341 = arith.constant 384 : i32
    %add3A_342 = arith.addi %mul3A_340, %add3A_341 : i32
    %dma_wait3A_343 = arith.constant 3 : i32
    %dma_wait3A_344 = arith.constant 0 : i32
    %dma_wait3A_345 = arith.constant 0 : i32
    %dma_wait3A_346 = arith.constant 0 : i32
    %dma_wait3A_347 = tpu.memref_slice %arg8[%dma_wait3A_344, %dma_wait3A_345, %dma_wait3A_346] : memref<2x128x128xf32, #tpu.memory_space<vmem>> -> memref<1x128x128xf32, #tpu.memory_space<vmem>>
    %dma_wait3A_348 = tpu.memref_squeeze %dma_wait3A_347 : memref<1x128x128xf32, #tpu.memory_space<vmem>> -> memref<128x128xf32, #tpu.memory_space<vmem>>
    %dma_wait3A_349 = arith.constant 0 : i32
    %dma_wait3A_350 = tpu.memref_slice %arg6[%dma_wait3A_343, %dma_wait3A_349] : memref<4x128xi32, #tpu.memory_space<vmem>> -> memref<1x128xi32, #tpu.memory_space<vmem>>
    %dma_wait3A_351 = tpu.memref_squeeze %dma_wait3A_350 : memref<1x128xi32, #tpu.memory_space<vmem>> -> memref<128xi32, #tpu.memory_space<vmem>>
    %dma_wait3A_352 = arith.constant 0 : i32
    %dma_wait3A_353 = arith.constant 0 : i32
    %dma_wait3A_354 = tpu.memref_slice %arg4[%dma_wait3A_352, %dma_wait3A_353] : memref<100000x128xf32, #tpu.memory_space<hbm>> -> memref<100000x128xf32, #tpu.memory_space<hbm>>
    tpu.wait_indirect_dma semaphore(%arg9 : memref<!tpu.dma_semaphore, #tpu.memory_space<semaphore_mem>>) src(%dma_wait3A_354 : memref<100000x128xf32, #tpu.memory_space<hbm>>) dst(%dma_wait3A_348 : memref<128x128xf32, #tpu.memory_space<vmem>>)
    %dma_start3A_355 = arith.constant 0 : i32
    %dma_start3A_356 = arith.constant 0 : i32
    %dma_start3A_357 = arith.constant 0 : i32
    %dma_start3A_358 = tpu.memref_slice %arg8[%dma_start3A_355, %dma_start3A_356, %dma_start3A_357] : memref<2x128x128xf32, #tpu.memory_space<vmem>> -> memref<1x128x64xf32, #tpu.memory_space<vmem>>
    %dma_start3A_359 = tpu.memref_squeeze %dma_start3A_358 : memref<1x128x64xf32, #tpu.memory_space<vmem>> -> memref<128x64xf32, #tpu.memory_space<vmem>>
    %dma_start3A_360 = arith.constant 0 : i32
    %dma_start3A_361 = tpu.memref_slice %arg5[%add3A_342, %dma_start3A_360] : memref<16384x128xf32, #tpu.memory_space<hbm>> -> memref<128x64xf32, #tpu.memory_space<hbm>>
    %dma_start3A_362 = arith.constant 0 : i32
    %dma_start3A_363 = tpu.memref_slice %arg5[%add3A_342, %dma_start3A_362] : memref<16384x128xf32, #tpu.memory_space<hbm>> -> memref<128x64xf32, #tpu.memory_space<hbm>>
    %dma_start3A_364 = arith.constant 0 : i32
    %dma_start3A_365 = arith.constant 0 : i32
    %dma_start3A_366 = tpu.memref_slice %arg8[%dma_start3A_355, %dma_start3A_364, %dma_start3A_365] : memref<2x128x128xf32, #tpu.memory_space<vmem>> -> memref<1x128x64xf32, #tpu.memory_space<vmem>>
    %dma_start3A_367 = tpu.memref_squeeze %dma_start3A_366 : memref<1x128x64xf32, #tpu.memory_space<vmem>> -> memref<128x64xf32, #tpu.memory_space<vmem>>
    tpu.enqueue_dma source(%dma_start3A_367 : memref<128x64xf32, #tpu.memory_space<vmem>>) target(%dma_start3A_363 : memref<128x64xf32, #tpu.memory_space<hbm>>) target_semaphore(%arg10 : memref<!tpu.dma_semaphore, #tpu.memory_space<semaphore_mem>>)
    %dma_wait3A_368 = arith.constant 3 : i32
    %dma_wait3A_369 = arith.constant 1 : i32
    %dma_wait3A_370 = arith.constant 0 : i32
    %dma_wait3A_371 = arith.constant 0 : i32
    %dma_wait3A_372 = tpu.memref_slice %arg8[%dma_wait3A_369, %dma_wait3A_370, %dma_wait3A_371] : memref<2x128x128xf32, #tpu.memory_space<vmem>> -> memref<1x128x128xf32, #tpu.memory_space<vmem>>
    %dma_wait3A_373 = tpu.memref_squeeze %dma_wait3A_372 : memref<1x128x128xf32, #tpu.memory_space<vmem>> -> memref<128x128xf32, #tpu.memory_space<vmem>>
    %dma_wait3A_374 = arith.constant 0 : i32
    %dma_wait3A_375 = tpu.memref_slice %arg7[%dma_wait3A_368, %dma_wait3A_374] : memref<4x128xi32, #tpu.memory_space<vmem>> -> memref<1x128xi32, #tpu.memory_space<vmem>>
    %dma_wait3A_376 = tpu.memref_squeeze %dma_wait3A_375 : memref<1x128xi32, #tpu.memory_space<vmem>> -> memref<128xi32, #tpu.memory_space<vmem>>
    %dma_wait3A_377 = arith.constant 0 : i32
    %dma_wait3A_378 = arith.constant 0 : i32
    %dma_wait3A_379 = tpu.memref_slice %arg4[%dma_wait3A_377, %dma_wait3A_378] : memref<100000x128xf32, #tpu.memory_space<hbm>> -> memref<100000x128xf32, #tpu.memory_space<hbm>>
    tpu.wait_indirect_dma semaphore(%arg9 : memref<!tpu.dma_semaphore, #tpu.memory_space<semaphore_mem>>) src(%dma_wait3A_379 : memref<100000x128xf32, #tpu.memory_space<hbm>>) dst(%dma_wait3A_373 : memref<128x128xf32, #tpu.memory_space<vmem>>)
    %dma_start3A_380 = arith.constant 1 : i32
    %dma_start3A_381 = arith.constant 0 : i32
    %dma_start3A_382 = arith.constant 64 : i32
    %dma_start3A_383 = tpu.memref_slice %arg8[%dma_start3A_380, %dma_start3A_381, %dma_start3A_382] : memref<2x128x128xf32, #tpu.memory_space<vmem>> -> memref<1x128x64xf32, #tpu.memory_space<vmem>>
    %dma_start3A_384 = tpu.memref_squeeze %dma_start3A_383 : memref<1x128x64xf32, #tpu.memory_space<vmem>> -> memref<128x64xf32, #tpu.memory_space<vmem>>
    %dma_start3A_385 = arith.constant 64 : i32
    %dma_start3A_386 = tpu.memref_slice %arg5[%add3A_342, %dma_start3A_385] : memref<16384x128xf32, #tpu.memory_space<hbm>> -> memref<128x64xf32, #tpu.memory_space<hbm>>
    %dma_start3A_387 = arith.constant 64 : i32
    %dma_start3A_388 = tpu.memref_slice %arg5[%add3A_342, %dma_start3A_387] : memref<16384x128xf32, #tpu.memory_space<hbm>> -> memref<128x64xf32, #tpu.memory_space<hbm>>
    %dma_start3A_389 = arith.constant 0 : i32
    %dma_start3A_390 = arith.constant 64 : i32
    %dma_start3A_391 = tpu.memref_slice %arg8[%dma_start3A_380, %dma_start3A_389, %dma_start3A_390] : memref<2x128x128xf32, #tpu.memory_space<vmem>> -> memref<1x128x64xf32, #tpu.memory_space<vmem>>
    %dma_start3A_392 = tpu.memref_squeeze %dma_start3A_391 : memref<1x128x64xf32, #tpu.memory_space<vmem>> -> memref<128x64xf32, #tpu.memory_space<vmem>>
    tpu.enqueue_dma source(%dma_start3A_392 : memref<128x64xf32, #tpu.memory_space<vmem>>) target(%dma_start3A_388 : memref<128x64xf32, #tpu.memory_space<hbm>>) target_semaphore(%arg10 : memref<!tpu.dma_semaphore, #tpu.memory_space<semaphore_mem>>)
    %dma_wait3A_393 = arith.constant 0 : i32
    %dma_wait3A_394 = arith.constant 0 : i32
    %dma_wait3A_395 = arith.constant 0 : i32
    %dma_wait3A_396 = tpu.memref_slice %arg8[%dma_wait3A_393, %dma_wait3A_394, %dma_wait3A_395] : memref<2x128x128xf32, #tpu.memory_space<vmem>> -> memref<1x128x64xf32, #tpu.memory_space<vmem>>
    %dma_wait3A_397 = tpu.memref_squeeze %dma_wait3A_396 : memref<1x128x64xf32, #tpu.memory_space<vmem>> -> memref<128x64xf32, #tpu.memory_space<vmem>>
    %dma_wait3A_398 = arith.constant 0 : i32
    %dma_wait3A_399 = tpu.memref_slice %arg5[%add3A_342, %dma_wait3A_398] : memref<16384x128xf32, #tpu.memory_space<hbm>> -> memref<128x64xf32, #tpu.memory_space<hbm>>
    %dma_wait3A_400 = arith.constant 0 : i32
    %dma_wait3A_401 = tpu.memref_slice %arg5[%add3A_342, %dma_wait3A_400] : memref<16384x128xf32, #tpu.memory_space<hbm>> -> memref<128x64xf32, #tpu.memory_space<hbm>>
    %dma_wait3A_402 = arith.constant 0 : i32
    %dma_wait3A_403 = arith.constant 0 : i32
    %dma_wait3A_404 = tpu.memref_slice %arg8[%dma_wait3A_393, %dma_wait3A_402, %dma_wait3A_403] : memref<2x128x128xf32, #tpu.memory_space<vmem>> -> memref<1x128x64xf32, #tpu.memory_space<vmem>>
    %dma_wait3A_405 = tpu.memref_squeeze %dma_wait3A_404 : memref<1x128x64xf32, #tpu.memory_space<vmem>> -> memref<128x64xf32, #tpu.memory_space<vmem>>
    tpu.wait_dma2 semaphore(%arg10 : memref<!tpu.dma_semaphore, #tpu.memory_space<semaphore_mem>>) src(%dma_wait3A_405 : memref<128x64xf32, #tpu.memory_space<vmem>>) dst(%dma_wait3A_401 : memref<128x64xf32, #tpu.memory_space<hbm>>)
    %dma_wait3A_406 = arith.constant 1 : i32
    %dma_wait3A_407 = arith.constant 0 : i32
    %dma_wait3A_408 = arith.constant 64 : i32
    %dma_wait3A_409 = tpu.memref_slice %arg8[%dma_wait3A_406, %dma_wait3A_407, %dma_wait3A_408] : memref<2x128x128xf32, #tpu.memory_space<vmem>> -> memref<1x128x64xf32, #tpu.memory_space<vmem>>
    %dma_wait3A_410 = tpu.memref_squeeze %dma_wait3A_409 : memref<1x128x64xf32, #tpu.memory_space<vmem>> -> memref<128x64xf32, #tpu.memory_space<vmem>>
    %dma_wait3A_411 = arith.constant 64 : i32
    %dma_wait3A_412 = tpu.memref_slice %arg5[%add3A_342, %dma_wait3A_411] : memref<16384x128xf32, #tpu.memory_space<hbm>> -> memref<128x64xf32, #tpu.memory_space<hbm>>
    %dma_wait3A_413 = arith.constant 64 : i32
    %dma_wait3A_414 = tpu.memref_slice %arg5[%add3A_342, %dma_wait3A_413] : memref<16384x128xf32, #tpu.memory_space<hbm>> -> memref<128x64xf32, #tpu.memory_space<hbm>>
    %dma_wait3A_415 = arith.constant 0 : i32
    %dma_wait3A_416 = arith.constant 64 : i32
    %dma_wait3A_417 = tpu.memref_slice %arg8[%dma_wait3A_406, %dma_wait3A_415, %dma_wait3A_416] : memref<2x128x128xf32, #tpu.memory_space<vmem>> -> memref<1x128x64xf32, #tpu.memory_space<vmem>>
    %dma_wait3A_418 = tpu.memref_squeeze %dma_wait3A_417 : memref<1x128x64xf32, #tpu.memory_space<vmem>> -> memref<128x64xf32, #tpu.memory_space<vmem>>
    tpu.wait_dma2 semaphore(%arg10 : memref<!tpu.dma_semaphore, #tpu.memory_space<semaphore_mem>>) src(%dma_wait3A_418 : memref<128x64xf32, #tpu.memory_space<vmem>>) dst(%dma_wait3A_414 : memref<128x64xf32, #tpu.memory_space<hbm>>)
    return
  }
}

module attributes {stable_mosaic.version = 14 : i64} {
  func.func @body(%arg0: i32, %arg1: memref<32x4096xf32, #tpu.memory_space<vmem>>, %arg2: memref<32x4096xf32, #tpu.memory_space<vmem>>, %arg3: memref<32x4096xf32, #tpu.memory_space<vmem>>, %arg4: memref<32x4096xf32, #tpu.memory_space<vmem>>, %arg5: memref<4096x128xf32, #tpu.memory_space<vmem>>) attributes {dimension_semantics = [#tpu.dimension_semantics<arbitrary>], iteration_bounds = array<i64: 25>, scalar_prefetch = 0 : i64, scratch_operands = 0 : i64, tpu.core_type = #tpu.core_type<tc>, window_params = [{transform_indices = @transform_0, window_bounds = array<i64: 32, 4096>}, {transform_indices = @transform_1, window_bounds = array<i64: 32, 4096>}, {transform_indices = @transform_2, window_bounds = array<i64: 32, 4096>}, {transform_indices = @transform_3, window_bounds = array<i64: 32, 4096>}, {transform_indices = @transform_4, window_bounds = array<i64: 4096, 128>}]} {
    %iota3A = tpu.iota {dimensions = array<i32: 0>} : vector<32x32xi32>
    %iota3A_0 = tpu.iota {dimensions = array<i32: 1>} : vector<32x32xi32>
    %add3A = arith.constant 0 : i32
    %add3A_1 = vector.broadcast %add3A : i32 to vector<32x32xi32>
    %add3A_2 = arith.addi %iota3A, %add3A_1 : vector<32x32xi32>
    %eq3A = arith.cmpi eq, %add3A_2, %iota3A_0 : vector<32x32xi32>
    %convert_element_type3A = arith.extui %eq3A : vector<32x32xi1> to vector<32x32xi32>
    %convert_element_type3A_3 = arith.sitofp %convert_element_type3A : vector<32x32xi32> to vector<32x32xf32>
    %get3A = arith.constant 0 : index
    %get3A_4 = arith.constant 0 : index
    %get3A_5 = vector.load %arg1[%get3A, %get3A_4] : memref<32x4096xf32, #tpu.memory_space<vmem>>, vector<32x4096xf32>
    %dot_general3A = arith.constant dense<0.000000e+00> : vector<4096x32xf32>
    %dot_general3A_6 = tpu.matmul %get3A_5, %convert_element_type3A_3, %dot_general3A {dimension_numbers = #tpu.dot_dimension_numbers<[0], [0], [1], [1], [0, 1, 1, 1], [], []>, transpose_lhs_hint = false} : vector<32x4096xf32>, vector<32x32xf32>, vector<4096x32xf32> -> vector<4096x32xf32>
    %get3A_7 = arith.constant 0 : index
    %get3A_8 = arith.constant 0 : index
    %get3A_9 = vector.load %arg2[%get3A_7, %get3A_8] : memref<32x4096xf32, #tpu.memory_space<vmem>>, vector<32x4096xf32>
    %dot_general3A_10 = arith.constant dense<0.000000e+00> : vector<4096x32xf32>
    %dot_general3A_11 = tpu.matmul %get3A_9, %convert_element_type3A_3, %dot_general3A_10 {dimension_numbers = #tpu.dot_dimension_numbers<[0], [0], [1], [1], [0, 1, 1, 1], [], []>, transpose_lhs_hint = false} : vector<32x4096xf32>, vector<32x32xf32>, vector<4096x32xf32> -> vector<4096x32xf32>
    %get3A_12 = arith.constant 0 : index
    %get3A_13 = arith.constant 0 : index
    %get3A_14 = vector.load %arg3[%get3A_12, %get3A_13] : memref<32x4096xf32, #tpu.memory_space<vmem>>, vector<32x4096xf32>
    %dot_general3A_15 = arith.constant dense<0.000000e+00> : vector<4096x32xf32>
    %dot_general3A_16 = tpu.matmul %get3A_14, %convert_element_type3A_3, %dot_general3A_15 {dimension_numbers = #tpu.dot_dimension_numbers<[0], [0], [1], [1], [0, 1, 1, 1], [], []>, transpose_lhs_hint = false} : vector<32x4096xf32>, vector<32x32xf32>, vector<4096x32xf32> -> vector<4096x32xf32>
    %get3A_17 = arith.constant 0 : index
    %get3A_18 = arith.constant 0 : index
    %get3A_19 = vector.load %arg4[%get3A_17, %get3A_18] : memref<32x4096xf32, #tpu.memory_space<vmem>>, vector<32x4096xf32>
    %dot_general3A_20 = arith.constant dense<0.000000e+00> : vector<4096x32xf32>
    %dot_general3A_21 = tpu.matmul %get3A_19, %convert_element_type3A_3, %dot_general3A_20 {dimension_numbers = #tpu.dot_dimension_numbers<[0], [0], [1], [1], [0, 1, 1, 1], [], []>, transpose_lhs_hint = false} : vector<32x4096xf32>, vector<32x32xf32>, vector<4096x32xf32> -> vector<4096x32xf32>
    %concatenate3A = tpu.concatenate %dot_general3A_6, %dot_general3A_11, %dot_general3A_16, %dot_general3A_21 in 1 : vector<4096x32xf32>, vector<4096x32xf32>, vector<4096x32xf32>, vector<4096x32xf32> -> vector<4096x128xf32>
    %swap3A = arith.constant 0 : index
    %swap3A_22 = arith.constant 0 : index
    %swap3A_23 = vector.load %arg5[%swap3A, %swap3A_22] : memref<4096x128xf32, #tpu.memory_space<vmem>>, vector<4096x128xf32>
    tpu.vector_store %arg5[%swap3A, %swap3A_22], %concatenate3A {strides = array<i32>} : memref<4096x128xf32, #tpu.memory_space<vmem>>, vector<4096x128xf32>,
    return
  }
  func.func @transform_0(%arg0: i32) -> (i32, i32) {
    %c0_i32 = arith.constant 0 : i32
    %c0_i32_0 = arith.constant 0 : i32
    return %c0_i32, %arg0 : i32, i32
  }
  func.func @transform_1(%arg0: i32) -> (i32, i32) {
    %c0_i32 = arith.constant 0 : i32
    %c0_i32_0 = arith.constant 0 : i32
    return %c0_i32, %arg0 : i32, i32
  }
  func.func @transform_2(%arg0: i32) -> (i32, i32) {
    %c0_i32 = arith.constant 0 : i32
    %c0_i32_0 = arith.constant 0 : i32
    return %c0_i32, %arg0 : i32, i32
  }
  func.func @transform_3(%arg0: i32) -> (i32, i32) {
    %c0_i32 = arith.constant 0 : i32
    %c0_i32_0 = arith.constant 0 : i32
    return %c0_i32, %arg0 : i32, i32
  }
  func.func @transform_4(%arg0: i32) -> (i32, i32) {
    %c0_i32 = arith.constant 0 : i32
    %c0_i32_0 = arith.constant 0 : i32
    return %arg0, %c0_i32 : i32, i32
  }
}

module attributes {stable_mosaic.version = 14 : i64} {
  func.func @body(%arg0: i32, %arg1: memref<2048x128xf32, #tpu.memory_space<vmem>>, %arg2: memref<32x64xf32, #tpu.memory_space<vmem>>, %arg3: memref<32x64xf32, #tpu.memory_space<vmem>>, %arg4: memref<64x32xf32, #tpu.memory_space<vmem>>, %arg5: memref<1x32xf32, #tpu.memory_space<vmem>>, %arg6: memref<1x32xf32, #tpu.memory_space<vmem>>, %arg7: memref<1x64xf32, #tpu.memory_space<vmem>>, %arg8: memref<1x32xf32, #tpu.memory_space<vmem>>, %arg9: memref<1x1xf32, #tpu.memory_space<vmem>>, %arg10: memref<2048x1xf32, #tpu.memory_space<vmem>>) attributes {dimension_semantics = [#tpu.dimension_semantics<arbitrary>], iteration_bounds = array<i64: 8>, scalar_prefetch = 0 : i64, scratch_operands = 0 : i64, tpu.core_type = #tpu.core_type<tc>, window_params = [{transform_indices = @transform_0, window_bounds = array<i64: 2048, 128>}, {pipeline_mode = #tpu.pipeline_mode<synchronous>, transform_indices = @transform_1, window_bounds = array<i64: 32, 64>}, {pipeline_mode = #tpu.pipeline_mode<synchronous>, transform_indices = @transform_2, window_bounds = array<i64: 32, 64>}, {pipeline_mode = #tpu.pipeline_mode<synchronous>, transform_indices = @transform_3, window_bounds = array<i64: 64, 32>}, {pipeline_mode = #tpu.pipeline_mode<synchronous>, transform_indices = @transform_4, window_bounds = array<i64: 1, 32>}, {pipeline_mode = #tpu.pipeline_mode<synchronous>, transform_indices = @transform_5, window_bounds = array<i64: 1, 32>}, {pipeline_mode = #tpu.pipeline_mode<synchronous>, transform_indices = @transform_6, window_bounds = array<i64: 1, 64>}, {pipeline_mode = #tpu.pipeline_mode<synchronous>, transform_indices = @transform_7, window_bounds = array<i64: 1, 32>}, {pipeline_mode = #tpu.pipeline_mode<synchronous>, transform_indices = @transform_8, window_bounds = array<i64: 1, 1>}, {transform_indices = @transform_9, window_bounds = array<i64: 2048, 1>}]} {
    %get3A = arith.constant 0 : index
    %get3A_0 = arith.constant 0 : index
    %get3A_1 = vector.load %arg1[%get3A, %get3A_0] : memref<2048x128xf32, #tpu.memory_space<vmem>>, vector<2048x128xf32>
    %slice3A = vector.extract_strided_slice %get3A_1 {offsets = [0, 0], sizes = [2048, 32], strides = [1, 1]} : vector<2048x128xf32> to vector<2048x32xf32>
    %slice3A_2 = vector.extract_strided_slice %get3A_1 {offsets = [0, 64], sizes = [2048, 32], strides = [1, 1]} : vector<2048x128xf32> to vector<2048x32xf32>
    %mul3A = arith.mulf %slice3A, %slice3A_2 : vector<2048x32xf32>
    %slice3A_3 = vector.extract_strided_slice %get3A_1 {offsets = [0, 32], sizes = [2048, 32], strides = [1, 1]} : vector<2048x128xf32> to vector<2048x32xf32>
    %get3A_4 = arith.constant 0 : index
    %get3A_5 = arith.constant 0 : index
    %get3A_6 = vector.load %arg2[%get3A_4, %get3A_5] : memref<32x64xf32, #tpu.memory_space<vmem>>, vector<32x64xf32>
    %dot_general3A = arith.constant dense<0.000000e+00> : vector<2048x64xf32>
    %dot_general3A_7 = tpu.matmul %slice3A_3, %get3A_6, %dot_general3A {dimension_numbers = #tpu.dot_dimension_numbers<[1], [0], [0], [1], [0, 0, 1, 1], [], []>, transpose_lhs_hint = false} : vector<2048x32xf32>, vector<32x64xf32>, vector<2048x64xf32> -> vector<2048x64xf32>
    %slice3A_8 = vector.extract_strided_slice %get3A_1 {offsets = [0, 96], sizes = [2048, 32], strides = [1, 1]} : vector<2048x128xf32> to vector<2048x32xf32>
    %get3A_9 = arith.constant 0 : index
    %get3A_10 = arith.constant 0 : index
    %get3A_11 = vector.load %arg3[%get3A_9, %get3A_10] : memref<32x64xf32, #tpu.memory_space<vmem>>, vector<32x64xf32>
    %dot_general3A_12 = arith.constant dense<0.000000e+00> : vector<2048x64xf32>
    %dot_general3A_13 = tpu.matmul %slice3A_8, %get3A_11, %dot_general3A_12 {dimension_numbers = #tpu.dot_dimension_numbers<[1], [0], [0], [1], [0, 0, 1, 1], [], []>, transpose_lhs_hint = false} : vector<2048x32xf32>, vector<32x64xf32>, vector<2048x64xf32> -> vector<2048x64xf32>
    %add3A = arith.addf %dot_general3A_7, %dot_general3A_13 : vector<2048x64xf32>
    %get3A_14 = arith.constant 0 : index
    %get3A_15 = arith.constant 0 : index
    %get3A_16 = vector.load %arg7[%get3A_14, %get3A_15] : memref<1x64xf32, #tpu.memory_space<vmem>>, vector<1x64xf32>
    %add3A_17 = vector.broadcast %get3A_16 : vector<1x64xf32> to vector<2048x64xf32>
    %add3A_18 = arith.addf %add3A, %add3A_17 : vector<2048x64xf32>
    %max3A = arith.constant 0.000000e+00 : f32
    %max3A_19 = vector.broadcast %max3A : f32 to vector<2048x64xf32>
    %max3A_20 = arith.maximumf %add3A_18, %max3A_19 : vector<2048x64xf32>
    %get3A_21 = arith.constant 0 : index
    %get3A_22 = arith.constant 0 : index
    %get3A_23 = vector.load %arg4[%get3A_21, %get3A_22] : memref<64x32xf32, #tpu.memory_space<vmem>>, vector<64x32xf32>
    %dot_general3A_24 = arith.constant dense<0.000000e+00> : vector<2048x32xf32>
    %dot_general3A_25 = tpu.matmul %max3A_20, %get3A_23, %dot_general3A_24 {dimension_numbers = #tpu.dot_dimension_numbers<[1], [0], [0], [1], [0, 0, 1, 1], [], []>, transpose_lhs_hint = false} : vector<2048x64xf32>, vector<64x32xf32>, vector<2048x32xf32> -> vector<2048x32xf32>
    %get3A_26 = arith.constant 0 : index
    %get3A_27 = arith.constant 0 : index
    %get3A_28 = vector.load %arg8[%get3A_26, %get3A_27] : memref<1x32xf32, #tpu.memory_space<vmem>>, vector<1x32xf32>
    %add3A_29 = vector.broadcast %get3A_28 : vector<1x32xf32> to vector<2048x32xf32>
    %add3A_30 = arith.addf %dot_general3A_25, %add3A_29 : vector<2048x32xf32>
    %max3A_31 = arith.constant 0.000000e+00 : f32
    %max3A_32 = vector.broadcast %max3A_31 : f32 to vector<2048x32xf32>
    %max3A_33 = arith.maximumf %add3A_30, %max3A_32 : vector<2048x32xf32>
    %get3A_34 = arith.constant 0 : index
    %get3A_35 = arith.constant 0 : index
    %get3A_36 = vector.load %arg5[%get3A_34, %get3A_35] : memref<1x32xf32, #tpu.memory_space<vmem>>, vector<1x32xf32>
    %mul3A_37 = vector.broadcast %get3A_36 : vector<1x32xf32> to vector<2048x32xf32>
    %mul3A_38 = arith.mulf %mul3A, %mul3A_37 : vector<2048x32xf32>
    %reduce_sum3A = arith.constant dense<0.000000e+00> : vector<2048xf32>
    %reduce_sum3A_39 = vector.multi_reduction <add>, %mul3A_38, %reduce_sum3A [1] : vector<2048x32xf32> to vector<2048xf32>
    %broadcast_in_dim3A = vector.shape_cast %reduce_sum3A_39 : vector<2048xf32> to vector<2048x1xf32>
    %get3A_40 = arith.constant 0 : index
    %get3A_41 = arith.constant 0 : index
    %get3A_42 = vector.load %arg6[%get3A_40, %get3A_41] : memref<1x32xf32, #tpu.memory_space<vmem>>, vector<1x32xf32>
    %mul3A_43 = vector.broadcast %get3A_42 : vector<1x32xf32> to vector<2048x32xf32>
    %mul3A_44 = arith.mulf %max3A_33, %mul3A_43 : vector<2048x32xf32>
    %reduce_sum3A_45 = arith.constant dense<0.000000e+00> : vector<2048xf32>
    %reduce_sum3A_46 = vector.multi_reduction <add>, %mul3A_44, %reduce_sum3A_45 [1] : vector<2048x32xf32> to vector<2048xf32>
    %broadcast_in_dim3A_47 = vector.shape_cast %reduce_sum3A_46 : vector<2048xf32> to vector<2048x1xf32>
    %add3A_48 = arith.addf %broadcast_in_dim3A, %broadcast_in_dim3A_47 : vector<2048x1xf32>
    %get3A_49 = arith.constant 0 : index
    %get3A_50 = arith.constant 0 : index
    %get3A_51 = vector.load %arg9[%get3A_49, %get3A_50] : memref<1x1xf32, #tpu.memory_space<vmem>>, vector<1x1xf32>
    %add3A_52 = vector.broadcast %get3A_51 : vector<1x1xf32> to vector<2048x1xf32>
    %add3A_53 = arith.addf %add3A_48, %add3A_52 : vector<2048x1xf32>
    %swap3A = arith.constant 0 : index
    %swap3A_54 = arith.constant 0 : index
    %swap3A_55 = vector.load %arg10[%swap3A, %swap3A_54] : memref<2048x1xf32, #tpu.memory_space<vmem>>, vector<2048x1xf32>
    tpu.vector_store %arg10[%swap3A, %swap3A_54], %add3A_53 {strides = array<i32>} : memref<2048x1xf32, #tpu.memory_space<vmem>>, vector<2048x1xf32>,
    return
  }
  func.func @transform_0(%arg0: i32) -> (i32, i32) {
    %c0_i32 = arith.constant 0 : i32
    %c0_i32_0 = arith.constant 0 : i32
    return %arg0, %c0_i32 : i32, i32
  }
  func.func @transform_1(%arg0: i32) -> (i32, i32) {
    %c0_i32 = arith.constant 0 : i32
    %c0_i32_0 = arith.constant 0 : i32
    %c0_i32_1 = arith.constant 0 : i32
    return %c0_i32, %c0_i32_0 : i32, i32
  }
  func.func @transform_2(%arg0: i32) -> (i32, i32) {
    %c0_i32 = arith.constant 0 : i32
    %c0_i32_0 = arith.constant 0 : i32
    %c0_i32_1 = arith.constant 0 : i32
    return %c0_i32, %c0_i32_0 : i32, i32
  }
  func.func @transform_3(%arg0: i32) -> (i32, i32) {
    %c0_i32 = arith.constant 0 : i32
    %c0_i32_0 = arith.constant 0 : i32
    %c0_i32_1 = arith.constant 0 : i32
    return %c0_i32, %c0_i32_0 : i32, i32
  }
  func.func @transform_4(%arg0: i32) -> (i32, i32) {
    %c0_i32 = arith.constant 0 : i32
    %c0_i32_0 = arith.constant 0 : i32
    %c0_i32_1 = arith.constant 0 : i32
    return %c0_i32, %c0_i32_0 : i32, i32
  }
  func.func @transform_5(%arg0: i32) -> (i32, i32) {
    %c0_i32 = arith.constant 0 : i32
    %c0_i32_0 = arith.constant 0 : i32
    %c0_i32_1 = arith.constant 0 : i32
    return %c0_i32, %c0_i32_0 : i32, i32
  }
  func.func @transform_6(%arg0: i32) -> (i32, i32) {
    %c0_i32 = arith.constant 0 : i32
    %c0_i32_0 = arith.constant 0 : i32
    %c0_i32_1 = arith.constant 0 : i32
    return %c0_i32, %c0_i32_0 : i32, i32
  }
  func.func @transform_7(%arg0: i32) -> (i32, i32) {
    %c0_i32 = arith.constant 0 : i32
    %c0_i32_0 = arith.constant 0 : i32
    %c0_i32_1 = arith.constant 0 : i32
    return %c0_i32, %c0_i32_0 : i32, i32
  }
  func.func @transform_8(%arg0: i32) -> (i32, i32) {
    %c0_i32 = arith.constant 0 : i32
    %c0_i32_0 = arith.constant 0 : i32
    %c0_i32_1 = arith.constant 0 : i32
    return %c0_i32, %c0_i32_0 : i32, i32
  }
  func.func @transform_9(%arg0: i32) -> (i32, i32) {
    %c0_i32 = arith.constant 0 : i32
    %c0_i32_0 = arith.constant 0 : i32
    return %arg0, %c0_i32 : i32, i32
  }
}

</mosaic_0001>

<sc_bundles>
// kernel: kernel.5.cloned.1.call-start
scs
__scs_entry_jumppad:
0x0: {  	(pc) =	sbr.rel $0x88, $3  }
0x1: {  	(tag) =	ssettag $0x0;
	lr =	simm.s32 $0x1  }
0x2: {  	[smem:$0x3F95] =	sst lr;
	_ =	strace $0xD0000000  }
0x3: {  	_ = 	snop  }
0x4: {  	_ = 	snop  }
0x5: {  	_ = 	snop  }
0x6: {  	_ = 	snop  }
0x7: {  	_ = 	snop  }
__scs_overlays_trampoline_lowered:
0x8: {  	[smem:$0x3FA4] =	sst s0  }
0x9: {  	[smem:$0x3FA5] =	sst s1  }
0xa: {  	[smem:$0x3FA6] =	sst s2  }
0xb: {  	[smem:$0x3FA7] =	sst s3  }
0xc: {  	[smem:$0x3FA8] =	sst s4  }
0xd: {  	[smem:$0x3FA9] =	sst s5  }
0xe: {  	[smem:$0x3FAA] =	sst s6  }
0xf: {  	[smem:$0x3FAB] =	sst s7  }
0x10: {  	[smem:$0x3FAC] =	sst s8  }
0x11: {  	[smem:$0x3FAD] =	sst s9;
	s0 =	simm.s32 @!p0 $0x0  }
0x12: {  	s1 =	sld [smem:$0x3F93];
	s0 =	simm.s32 @p0 $0x1  }
0x13: {  	[smem:$0x3FAE] =	sst s0;
	s0 =	simm.s32 @!p1 $0x0  }
0x14: {  	s2 =	sld [smem:$0x3F92];
	s0 =	simm.s32 @p1 $0x1  }
0x15: {  	[smem:$0x3FAF] =	sst s0;
	s0 =	simm.s32 @!p2 $0x0  }
0x16: {  	s3 =	sld [smem:$0x3FDB];
	s0 =	simm.s32 @p2 $0x1  }
0x17: {  	s4 =	simm.s32 $0x1BF5;
	[smem:$0x3FB1] =	sst s0  }
0x18: {  	s0 =	sld [smem:$0x3F94];
	_ =	swait.ge [sflag:s4], $0x0  }
0x19: {  	s7 =	sld [smem:$0x3F95]  }
0x1a: {  	s8 =	sadd.s32 $0xFFFFE003, lr  }
0x1b: {  	s9 =	sadd.s32 $0xFFFFFEF7, lr;
	s5 =	simm.s32 $0xFFFFFFFF;
	p2 =	slt.u32 s8, $0xFFFFF086  }
0x1c: {  	p1 =	slt.u32 s9, $0xF7A;
	s5 =	simm.s32 @!p2 $0x0  }
0x1d: {  	s5 =	simm.s32 @p1 $0x1;
	p0 =	seq.s32 s7, s2  }
0x1e: {  	s7 =	smul.u32 @!p0 $0xF7A, s2;
	p2 =	seq.s32 @!p0 s5, $0x0  }
0x1f: {  	s9 =	smul.u32 $0xF7A, s1;
	s8 =	simm.s32 @!p0 $0x1BF5;
	p2 =	por !p2, p0  }
0x20: {  	[sflag:s8] =	ssyncset.s32 @!p0 $0xFFFFF086;
	s6 =	sadd.s32 @!p0 s3, s7;
	s7 =	simm.s32 @!p0 $0x108  }
0x21: {  	s3 =	sadd.s32 s3, s9;
	s6 =	sadd.s32 @!p0 $0x88, s6;
	s7 =	simm.s32 @p2 $0x1082  }
0x22: {  	[simem:s7], [sflag:s8] =	dma.local @!p0 [hbm:s6], $0xF7A  }
0x23: {  	s9 =	sor.u32 $0xD0000000, s2;
	s6 =	simm.s32 $0x108;
	_ =	swait.ge @!p0 [sflag:s8], $0x0  }
0x24: {  	s3 =	sadd.s32 $0x88, s3;
	s6 =	simm.s32 @!p1 $0x1082;
	[sflag:s4] =	ssyncset.s32 $0xFFFFF086  }
0x25: {  	[simem:s6], [sflag:s4] =	dma.local [hbm:s3], $0xF7A  }
0x26: {  	[smem:$0x3F95] =	sst s1;
	(tag) =	ssettag s2;
	_ =	strace s9  }
0x27: {  	s1 =	sld [smem:$0x3FA5]  }
0x28: {  	s2 =	sld [smem:$0x3FA6]  }
0x29: {  	s4 =	sld [smem:$0x3FA8]  }
0x2a: {  	p0 =	seq.s32 s5, $0x0;
	s5 =	sld [smem:$0x3FA9]  }
0x2b: {  	s6 =	sld [smem:$0x3FAA]  }
0x2c: {  	s7 =	sld [smem:$0x3FAB]  }
0x2d: {  	s3 =	simm.s32 $0x108;
	s8 =	sld [smem:$0x3FAC]  }
0x2e: {  	s3 =	simm.s32 @!p0 $0x1082;
	s9 =	sld [smem:$0x3FAD]  }
0x2f: {  	lr =	sadd.s32 s0, s3;
	s0 =	sld [smem:$0x3FA4]  }
0x30: {  	s3 =	sld [smem:$0x3FA7]  }
0x31: {  	[smem:$0x3FB0] =	sst s10  }
0x32: {  	s10 =	sld [smem:$0x3FAE];
	_ =	sdelay $0x3  }
0x33: {  	p0 =	seq.s32 s10, $0x1;
	s10 =	sld [smem:$0x3FB0];
	_ =	sdelay $0x3  }
0x34: {  	[smem:$0x3FB0] =	sst s10  }
0x35: {  	s10 =	sld [smem:$0x3FAF];
	_ =	sdelay $0x3  }
0x36: {  	p1 =	seq.s32 s10, $0x1;
	s10 =	sld [smem:$0x3FB0];
	_ =	sdelay $0x3  }
0x37: {  	[smem:$0x3FB0] =	sst s10  }
0x38: {  	s10 =	sld [smem:$0x3FB1]  }
0x39: {  	_ = 	snop;
	(pc) =	sbr.ind lr, $3  }
0x3a: {  	_ = 	snop  }
0x3b: {  	_ = 	snop  }
0x3c: {  	p2 =	seq.s32 s10, $0x1;
	s10 =	sld [smem:$0x3FB0]  }
0x3d: {  	_ =	shalt  }
0x3e: {  	_ =	shalt  }
0x3f: {  	_ =	shalt  }
0x40: {  	_ =	shalt  }
0x41: {  	_ =	shalt  }
0x42: {  	_ =	shalt  }
0x43: {  	_ =	shalt  }
0x44: {  	_ =	shalt  }
0x45: {  	_ =	shalt  }
0x46: {  	_ =	shalt  }
0x47: {  	_ =	shalt  }
0x48: {  	_ =	shalt  }
0x49: {  	_ =	shalt  }
0x4a: {  	_ =	shalt  }
0x4b: {  	_ =	shalt  }
0x4c: {  	_ =	shalt  }
0x4d: {  	_ =	shalt  }
0x4e: {  	_ =	shalt  }
0x4f: {  	_ =	shalt  }
0x50: {  	_ =	shalt  }
0x51: {  	_ =	shalt  }
0x52: {  	_ =	shalt  }
0x53: {  	_ =	shalt  }
0x54: {  	_ =	shalt  }
0x55: {  	_ =	shalt  }
0x56: {  	_ =	shalt  }
0x57: {  	_ =	shalt  }
0x58: {  	_ =	shalt  }
0x59: {  	_ =	shalt  }
0x5a: {  	_ =	shalt  }
0x5b: {  	_ =	shalt  }
0x5c: {  	_ =	shalt  }
0x5d: {  	_ =	shalt  }
0x5e: {  	_ =	shalt  }
0x5f: {  	_ =	shalt  }
0x60: {  	_ =	shalt  }
0x61: {  	_ =	shalt  }
0x62: {  	_ =	shalt  }
0x63: {  	_ =	shalt  }
0x64: {  	_ =	shalt  }
0x65: {  	_ =	shalt  }
0x66: {  	_ =	shalt  }
0x67: {  	_ =	shalt  }
0x68: {  	_ =	shalt  }
0x69: {  	_ =	shalt  }
0x6a: {  	_ =	shalt  }
0x6b: {  	_ =	shalt  }
0x6c: {  	_ =	shalt  }
0x6d: {  	_ =	shalt  }
0x6e: {  	_ =	shalt  }
0x6f: {  	_ =	shalt  }
0x70: {  	_ =	shalt  }
0x71: {  	_ =	shalt  }
0x72: {  	_ =	shalt  }
0x73: {  	_ =	shalt  }
0x74: {  	_ =	shalt  }
0x75: {  	_ =	shalt  }
0x76: {  	_ =	shalt  }
0x77: {  	_ =	shalt  }
0x78: {  	_ =	shalt  }
0x79: {  	_ =	shalt  }
0x7a: {  	_ =	shalt  }
0x7b: {  	_ =	shalt  }
0x7c: {  	_ =	shalt  }
0x7d: {  	_ =	shalt  }
0x7e: {  	_ =	shalt  }
0x7f: {  	_ =	shalt  }
0x80: {  	_ =	shalt  }
0x81: {  	_ =	shalt  }
0x82: {  	_ =	shalt  }
0x83: {  	_ =	shalt  }
0x84: {  	_ =	shalt  }
0x85: {  	_ =	shalt  }
0x86: {  	_ =	shalt  }
0x87: {  	_ =	shalt  }
.Lfunc_end0:
.L_simem_size_0:
called_computation_lowered:
.L_overlay_start_0:
0x88: {  	s2 =	sld [smem:$0x3FD9]  }
0x89: {  	s3 =	sld [smem:$0x3FFE];
	_ =	sdelay $0x1  }
0x8a: {  	s1 =	srdreg.scid  }
0x8b: {  	s0 =	sand.u32 $0x1, s1  }
0x8c: {  	s17 =	sshll.u32 s0, $0xA;
	s2 =	sadd.s32 s3, s2  }
0x8d: {  	s2 =	sadd.s32 s2, s17  }
0x8e: {  	[smem:$0x3FBC] =	sst s2  }
0x8f: {  	_ = 	snop  }
0x90: {  	s2 =	sld [smem:$0x3FC9]  }
0x91: {  	s18 =	sld [smem:$0x3FC8];
	(tm) =	ssettm $0x1  }
0x92: {  	s4 =	sld [smem:$0x3FFB];
	_ =	sdelay $0x3  }
0x93: {  	_ =	strace s4  }
0x94: {  	s4 =	sld [smem:$0x3FFC];
	_ =	sdelay $0x3  }
0x95: {  	_ =	strace s4  }
0x96: {  	s4 =	sld [smem:$0x3FFD];
	_ =	sdelay $0x3  }
0x97: {  	_ =	strace s4  }
0x98: {  	_ =	strace $0x8FFFFFFF  }
0x99: {  	s19 =	sld [smem:$0x3FDB];
	_ =	sdelay $0x1  }
0x9a: {  	s5 =	simm.s32 $_scs_section_size  }
0x9b: {  	s6 =	simm.s32 $_size__tile_overlayer_lowered;
	s7 =	simm.s32 $_tile_overlayer_lowered  }
0x9c: {  	s22 =	simm.s32 $0x1BFF;
	s21 =	sshll.u32 s7, $0x1;
	s4 =	sadd.s32 s5, s19  }
0x9d: {  	s8 =	simm.s32 $0x0;
	s20 =	sshll.u32 s6, $0x1;
	s6 =	sadd.s32 s21, s4  }
0x9e: {  	[timem:s8], [sflag:s22] =	dma.local [hbm:s6], s20  }
0x9f: {  	_ =	swait.ge [sflag:s22], s20  }
0xa0: {  	s5 =	ssub.s32 $0x0, s20;
	[sflag:s22] =	ssyncset.done $0x0  }
0xa1: {  	[sflag:s22] =	ssyncadd.s32 s5;
	_ =	sdelay $0x1  }
0xa2: {  	s23 =	simm.s32 $0x1B8B  }
0xa3: {  	_ =	swait.ge [sflag:s23], $0x1  }
0xa4: {  	[sflag:s23] =	ssyncset.done $0x0  }
0xa5: {  	s25 =	simm.s32 $0x1B8E;
	s24 =	sld [smem:$0x3FFE];
	[sflag:s23] =	ssyncadd.s32 $0xFFFFFFFF  }
0xa6: {  	s26 =	simm.s32 $execute0_lowered;
	[smem:$0x3FD2] =	sst s25  }
0xa7: {  	s6 =	sshll.u32 s26, $0x1;
	_ =	strace $0x80000046;
	[dreg:$0x1] =	wrdreg $0xFFFFFFFF  }
0xa8: {  	s28 =	simm.s32 $_size_execute0_lowered;
	s4 =	sadd.s32 s4, s6;
	[dreg:$0x0] =	wrdreg $0x0  }
0xa9: {  	s6 =	sshll.u32 s28, $0x1;
	[dreg:$0x2] =	wrdreg s4  }
0xaa: {  	[dreg:$0x3] =	wrdreg s6  }
0xab: {  	[dreg:$0x4] =	wrdreg $0xC0  }
0xac: {  	_ =	task [dreg:s8], $0x5FFFF  }
0xad: {  	[dreg:$0x1] =	wrdreg $0xFFFFFFFF  }
0xae: {  	[dreg:$0x0] =	wrdreg $0x60  }
0xaf: {  	[dreg:$0x2] =	wrdreg s2  }
0xb0: {  	[dreg:$0x3] =	wrdreg s18  }
0xb1: {  	[dreg:$0x4] =	wrdreg s24  }
0xb2: {  	[dreg:$0x5] =	wrdreg $0x9  }
0xb3: {  	_ =	task.clear_ibuf [dreg:s8], $0x6FFFF;
	_ =	strace $0x90000046  }
0xb4: {  	s29 =	simm.s32 $0x9;
	_ =	strace $0x80000048  }
0xb5: {  	_ =	swait.ge [sflag:s29], $0x1  }
0xb6: {  	[sflag:s29] =	ssyncadd.s32 $0xFFFFFFFF  }
0xb7: {  	_ =	strace $0x90000048  }
0xb8: {  	_ =	sfence  }
0xb9: {  	s30 =	sld [smem:$0x0];
	_ =	sdelay $0x2  }
0xba: {  	s31 =	sshll.u32 s1, $0xD;
	s1 =	sshrl.u32 s1, $0x2  }
0xbb: {  	s3 =	sand.u32 $0x4000, s31;
	s1 =	sadd.s32 s1, s30  }
0xbc: {  	s0 =	sor.u32 s3, s0;
	s1 =	sshll.u32 s1, $0x11  }
0xbd: {  	s0 =	sor.u32 s1, s0  }
0xbe: {  	s0 =	sadd.s32 $0x8F2B, s0  }
0xbf: {  	[sflag:s0] =	ssyncadd.remote.s32 $0x1  }
0xc0: {  	_ =	sfence.sel $0xFFFF  }
0xc1: {  	[dreg:$0x0] =	wrdreg $0xFFFFFFFF;
	(pc) =	sbr.abs _section_cstart, $3  }
0xc2: {  	[dreg:$0x1] =	wrdreg $0xFFFFFFFF  }
0xc3: {  	_ =	task.clear_ibuf [dreg:s8], $0x2FFFF;
	_ =	strace $0x9FFFFFFF  }
0xc4: {  	(tm) =	ssettm $0x7FFFFFFF  }
0xc5: {  	_ =	shalt  }
tec
execute0_lowered:
.L_overlay_start_1:
0x0: {  	(tag) =	ssettag $0x1  }
0x1: {  	s6 =	rddreg [dreg:$0x0]  }
0x2: {  	s9 =	rddreg [dreg:$0x1]  }
0x3: {  	s4 =	rddreg [dreg:$0x2]  }
0x4: {  	s0 =	rddreg [dreg:$0x3]  }
0x5: {  	s3 =	srdreg.scid;
	s1 =	stileid.u32  }
0x6: {  	s2 =	simm.s32 $0x0;
	s15 =	simm.s32 $0x3;
	s16 =	simm.s32 $0x200  }
0x7: {  	s17 =	simm.s32 $0x80;
	s18 =	simm.s32 $0x4400;
	s19 =	simm.s32 $0x1  }
0x8: {  	s20 =	simm.s32 $0x2;
	s21 =	simm.s32 $0x280;
	s22 =	simm.s32 $0x100  }
0x9: {  	s23 =	simm.s32 $0x300;
	s24 =	simm.s32 $0x180;
	s25 =	simm.s32 $0x380  }
0xa: {  	s26 =	simm.s32 $0x0;
	s3 =	sand.u32 $0x1, s3;
	s5 =	sshll.u32 s1, $0x1  }
0xb: {  	[smem:$0x7FF] =	sst s2;
	s5 =	sor.u32 s3, s5;
	s7 =	ssub.s32 $0x2, s3  }
0xc: {  	_ =	strace $0x80000047;
	s3 =	sadd.s32 $0x1200, s4;
	s8 =	sshll.u32 s5, $0xD  }
0xd: {  	s10 =	sshrl.u32 s7, $0x1;
	s31 =	sshll.u32 s5, $0x6;
	s13 =	sadd.s32 s8, s4  }
0xe: {  	s14 =	ssub.s32 s7, s10;
	s4 =	sadd.s32 $0x187C00, s13;
	s5 =	sadd.s32 $0x187C08, s13  }
0xf: {  	s6 =	sadd.s32 s6, s31;
	s7 =	sadd.s32 $0x188400, s13;
	s8 =	sadd.s32 $0x188408, s13  }
0x10: {  	s9 =	sadd.s32 s9, s31;
	s10 =	sadd.s32 $0x188C00, s13;
	s11 =	sadd.s32 $0x188C08, s13  }
0x11: {  	s12 =	sadd.s32 $0x189400, s13;
	s13 =	sadd.s32 $0x189408, s13;
	s14 =	smax.u32 s14, $0x1  }
.LBB2_1:
0x12: {  	[tilespmem:s2], [sflag:$0x3] =	stream.linear.gather [hbm4b:s6+s2], $0x200, $0x38;
	[tilespmem:$0x8400] =	vst v63  }
0x13: {  	_ =	swait.ge [sflag:s15], $0x200  }
0x14: {  	[sflag:s15] =	ssyncset.done $0x0  }
0x15: {  	[sflag:s15] =	ssyncadd.s32 $0xFFFFFE00  }
0x16: {  	[tilespmem:s16], [sflag:$0x3] =	stream.linear.gather [hbm4b:s9+s2], $0x200, $0x38;
	[tilespmem:$0x8400] =	vst v63  }
0x17: {  	_ =	swait.ge [sflag:s15], $0x200  }
0x18: {  	[sflag:s15] =	ssyncset.done $0x0  }
0x19: {  	s28 =	simm.s32 $0x400;
	[sflag:s15] =	ssyncadd.s32 $0xFFFFFE00  }
0x1a: {  	[tilespmem:s28], [sflag:$0x1] =	stream.indirect.gather [hbm4b:s3+s17], $0x80, s2, s17, $0xb8;
	[tilespmem:$0x8400] =	vst v63  }
0x1b: {  	_ = 	snop  }
0x1c: {  	[tilespmem:s18], [sflag:$0x1] =	stream.indirect.gather [hbm4b:s3+s17], $0x80, s16, s17, $0xb8;
	[tilespmem:$0x8400] =	vst v63  }
0x1d: {  	_ =	swait.ge [sflag:s19], $0x4000  }
0x1e: {  	s29 =	simm.s32 $0x10;
	[sflag:s19] =	ssyncset.done $0x0  }
0x1f: {  	s31 =	sadd.s32 $0x0, s4;
	s30 =	simm.s32 $0x480;
	[sflag:s19] =	ssyncadd.s32 $0xFFFFC000  }
.LBB2_2:
0x20: {  	[hbm4b:s31+s2] =	stream.linear.scatter [tilespmem:s28], [sflag:$0x2], $0x40, $0x38;
	[tilespmem:$0x8400] =	vst v63  }
0x21: {  	s31 =	smov.u32 s29;
	s28 =	smov.u32 s30;
	p0 =	sne.s32 s29, $0x7F0  }
.Ltmp0:
0x22: {  	s29 =	sadd.s32 $0x10, s29;
	(pc) =	sbr.rel @p0 .LBB2_2-.Ltmp0, $2  }
0x23: {  	_ =	sdelay $0x2  }
0x24: {  	s30 =	sadd.s32 $0x80, s30;
	s31 =	sadd.s32 s31, s4  }
0x25: {  	[hbm4b:s31+s2] =	stream.linear.scatter [tilespmem:s28], [sflag:$0x2], $0x40, $0x38;
	[tilespmem:$0x8400] =	vst v63  }
0x26: {  	_ =	swait.ge [sflag:s19], $0x4000  }
0x27: {  	s28 =	simm.s32 $0x4440;
	s29 =	simm.s32 $0x10;
	[sflag:s19] =	ssyncset.done $0x0  }
0x28: {  	s31 =	sadd.s32 $0x0, s5;
	s30 =	simm.s32 $0x44C0;
	[sflag:s19] =	ssyncadd.s32 $0xFFFFC000  }
.LBB2_4:
0x29: {  	[hbm4b:s31+s2] =	stream.linear.scatter [tilespmem:s28], [sflag:$0x2], $0x40, $0x38;
	[tilespmem:$0x8400] =	vst v63  }
0x2a: {  	s31 =	smov.u32 s29;
	s28 =	smov.u32 s30;
	p0 =	sne.s32 s29, $0x7F0  }
.Ltmp1:
0x2b: {  	s29 =	sadd.s32 $0x10, s29;
	(pc) =	sbr.rel @p0 .LBB2_4-.Ltmp1, $2  }
0x2c: {  	_ =	sdelay $0x2  }
0x2d: {  	s30 =	sadd.s32 $0x80, s30;
	s31 =	sadd.s32 s31, s5  }
0x2e: {  	[hbm4b:s31+s2] =	stream.linear.scatter [tilespmem:s28], [sflag:$0x2], $0x40, $0x38;
	[tilespmem:$0x8400] =	vst v63  }
0x2f: {  	_ =	swait.ge [sflag:s20], $0x2000  }
0x30: {  	[sflag:s20] =	ssyncset.done $0x0  }
0x31: {  	[sflag:s20] =	ssyncadd.s32 $0xFFFFE000  }
0x32: {  	_ =	swait.ge [sflag:s20], $0x2000  }
0x33: {  	[sflag:s20] =	ssyncset.done $0x0  }
0x34: {  	s28 =	simm.s32 $0x400;
	[sflag:s20] =	ssyncadd.s32 $0xFFFFE000  }
0x35: {  	[tilespmem:s28], [sflag:$0x1] =	stream.indirect.gather [hbm4b:s3+s17], $0x80, s17, s17, $0xb8;
	[tilespmem:$0x8400] =	vst v63  }
0x36: {  	_ = 	snop  }
0x37: {  	[tilespmem:s18], [sflag:$0x1] =	stream.indirect.gather [hbm4b:s3+s17], $0x80, s21, s17, $0xb8;
	[tilespmem:$0x8400] =	vst v63  }
0x38: {  	_ =	swait.ge [sflag:s19], $0x4000  }
0x39: {  	s29 =	simm.s32 $0x10;
	[sflag:s19] =	ssyncset.done $0x0  }
0x3a: {  	s31 =	sadd.s32 $0x0, s7;
	s30 =	simm.s32 $0x480;
	[sflag:s19] =	ssyncadd.s32 $0xFFFFC000  }
.LBB2_6:
0x3b: {  	[hbm4b:s31+s2] =	stream.linear.scatter [tilespmem:s28], [sflag:$0x2], $0x40, $0x38;
	[tilespmem:$0x8400] =	vst v63  }
0x3c: {  	s31 =	smov.u32 s29;
	s28 =	smov.u32 s30;
	p0 =	sne.s32 s29, $0x7F0  }
.Ltmp2:
0x3d: {  	s29 =	sadd.s32 $0x10, s29;
	(pc) =	sbr.rel @p0 .LBB2_6-.Ltmp2, $2  }
0x3e: {  	_ =	sdelay $0x2  }
0x3f: {  	s30 =	sadd.s32 $0x80, s30;
	s31 =	sadd.s32 s31, s7  }
0x40: {  	[hbm4b:s31+s2] =	stream.linear.scatter [tilespmem:s28], [sflag:$0x2], $0x40, $0x38;
	[tilespmem:$0x8400] =	vst v63  }
0x41: {  	_ =	swait.ge [sflag:s19], $0x4000  }
0x42: {  	s28 =	simm.s32 $0x4440;
	s29 =	simm.s32 $0x10;
	[sflag:s19] =	ssyncset.done $0x0  }
0x43: {  	s31 =	sadd.s32 $0x0, s8;
	s30 =	simm.s32 $0x44C0;
	[sflag:s19] =	ssyncadd.s32 $0xFFFFC000  }
.LBB2_8:
0x44: {  	[hbm4b:s31+s2] =	stream.linear.scatter [tilespmem:s28], [sflag:$0x2], $0x40, $0x38;
	[tilespmem:$0x8400] =	vst v63  }
0x45: {  	s31 =	smov.u32 s29;
	s28 =	smov.u32 s30;
	p0 =	sne.s32 s29, $0x7F0  }
.Ltmp3:
0x46: {  	s29 =	sadd.s32 $0x10, s29;
	(pc) =	sbr.rel @p0 .LBB2_8-.Ltmp3, $2  }
0x47: {  	_ =	sdelay $0x2  }
0x48: {  	s30 =	sadd.s32 $0x80, s30;
	s31 =	sadd.s32 s31, s8  }
0x49: {  	[hbm4b:s31+s2] =	stream.linear.scatter [tilespmem:s28], [sflag:$0x2], $0x40, $0x38;
	[tilespmem:$0x8400] =	vst v63  }
0x4a: {  	_ =	swait.ge [sflag:s20], $0x2000  }
0x4b: {  	[sflag:s20] =	ssyncset.done $0x0  }
0x4c: {  	[sflag:s20] =	ssyncadd.s32 $0xFFFFE000  }
0x4d: {  	_ =	swait.ge [sflag:s20], $0x2000  }
0x4e: {  	[sflag:s20] =	ssyncset.done $0x0  }
0x4f: {  	s28 =	simm.s32 $0x400;
	[sflag:s20] =	ssyncadd.s32 $0xFFFFE000  }
0x50: {  	[tilespmem:s28], [sflag:$0x1] =	stream.indirect.gather [hbm4b:s3+s17], $0x80, s22, s17, $0xb8;
	[tilespmem:$0x8400] =	vst v63  }
0x51: {  	_ = 	snop  }
0x52: {  	[tilespmem:s18], [sflag:$0x1] =	stream.indirect.gather [hbm4b:s3+s17], $0x80, s23, s17, $0xb8;
	[tilespmem:$0x8400] =	vst v63  }
0x53: {  	_ =	swait.ge [sflag:s19], $0x4000  }
0x54: {  	s29 =	simm.s32 $0x10;
	[sflag:s19] =	ssyncset.done $0x0  }
0x55: {  	s31 =	sadd.s32 $0x0, s10;
	s30 =	simm.s32 $0x480;
	[sflag:s19] =	ssyncadd.s32 $0xFFFFC000  }
.LBB2_10:
0x56: {  	[hbm4b:s31+s2] =	stream.linear.scatter [tilespmem:s28], [sflag:$0x2], $0x40, $0x38;
	[tilespmem:$0x8400] =	vst v63  }
0x57: {  	s31 =	smov.u32 s29;
	s28 =	smov.u32 s30;
	p0 =	sne.s32 s29, $0x7F0  }
.Ltmp4:
0x58: {  	s29 =	sadd.s32 $0x10, s29;
	(pc) =	sbr.rel @p0 .LBB2_10-.Ltmp4, $2  }
0x59: {  	_ =	sdelay $0x2  }
0x5a: {  	s30 =	sadd.s32 $0x80, s30;
	s31 =	sadd.s32 s31, s10  }
0x5b: {  	[hbm4b:s31+s2] =	stream.linear.scatter [tilespmem:s28], [sflag:$0x2], $0x40, $0x38;
	[tilespmem:$0x8400] =	vst v63  }
0x5c: {  	_ =	swait.ge [sflag:s19], $0x4000  }
0x5d: {  	s28 =	simm.s32 $0x4440;
	s29 =	simm.s32 $0x10;
	[sflag:s19] =	ssyncset.done $0x0  }
0x5e: {  	s31 =	sadd.s32 $0x0, s11;
	s30 =	simm.s32 $0x44C0;
	[sflag:s19] =	ssyncadd.s32 $0xFFFFC000  }
.LBB2_12:
0x5f: {  	[hbm4b:s31+s2] =	stream.linear.scatter [tilespmem:s28], [sflag:$0x2], $0x40, $0x38;
	[tilespmem:$0x8400] =	vst v63  }
0x60: {  	s31 =	smov.u32 s29;
	s28 =	smov.u32 s30;
	p0 =	sne.s32 s29, $0x7F0  }
.Ltmp5:
0x61: {  	s29 =	sadd.s32 $0x10, s29;
	(pc) =	sbr.rel @p0 .LBB2_12-.Ltmp5, $2  }
0x62: {  	_ =	sdelay $0x2  }
0x63: {  	s30 =	sadd.s32 $0x80, s30;
	s31 =	sadd.s32 s31, s11  }
0x64: {  	[hbm4b:s31+s2] =	stream.linear.scatter [tilespmem:s28], [sflag:$0x2], $0x40, $0x38;
	[tilespmem:$0x8400] =	vst v63  }
0x65: {  	_ =	swait.ge [sflag:s20], $0x2000  }
0x66: {  	[sflag:s20] =	ssyncset.done $0x0  }
0x67: {  	[sflag:s20] =	ssyncadd.s32 $0xFFFFE000  }
0x68: {  	_ =	swait.ge [sflag:s20], $0x2000  }
0x69: {  	[sflag:s20] =	ssyncset.done $0x0  }
0x6a: {  	s28 =	simm.s32 $0x400;
	[sflag:s20] =	ssyncadd.s32 $0xFFFFE000  }
0x6b: {  	[tilespmem:s28], [sflag:$0x1] =	stream.indirect.gather [hbm4b:s3+s17], $0x80, s24, s17, $0xb8;
	[tilespmem:$0x8400] =	vst v63  }
0x6c: {  	_ = 	snop  }
0x6d: {  	[tilespmem:s18], [sflag:$0x1] =	stream.indirect.gather [hbm4b:s3+s17], $0x80, s25, s17, $0xb8;
	[tilespmem:$0x8400] =	vst v63  }
0x6e: {  	_ =	swait.ge [sflag:s19], $0x4000  }
0x6f: {  	s29 =	simm.s32 $0x10;
	[sflag:s19] =	ssyncset.done $0x0  }
0x70: {  	s31 =	sadd.s32 $0x0, s12;
	s30 =	simm.s32 $0x480;
	[sflag:s19] =	ssyncadd.s32 $0xFFFFC000  }
.LBB2_14:
0x71: {  	[hbm4b:s31+s2] =	stream.linear.scatter [tilespmem:s28], [sflag:$0x2], $0x40, $0x38;
	[tilespmem:$0x8400] =	vst v63  }
0x72: {  	s31 =	smov.u32 s29;
	s28 =	smov.u32 s30;
	p0 =	sne.s32 s29, $0x7F0  }
.Ltmp6:
0x73: {  	s29 =	sadd.s32 $0x10, s29;
	(pc) =	sbr.rel @p0 .LBB2_14-.Ltmp6, $2  }
0x74: {  	_ =	sdelay $0x2  }
0x75: {  	s30 =	sadd.s32 $0x80, s30;
	s31 =	sadd.s32 s31, s12  }
0x76: {  	[hbm4b:s31+s2] =	stream.linear.scatter [tilespmem:s28], [sflag:$0x2], $0x40, $0x38;
	[tilespmem:$0x8400] =	vst v63  }
0x77: {  	_ =	swait.ge [sflag:s19], $0x4000  }
0x78: {  	s28 =	simm.s32 $0x4440;
	s29 =	simm.s32 $0x10;
	[sflag:s19] =	ssyncset.done $0x0  }
0x79: {  	s31 =	sadd.s32 $0x0, s13;
	s30 =	simm.s32 $0x44C0;
	[sflag:s19] =	ssyncadd.s32 $0xFFFFC000  }
.LBB2_16:
0x7a: {  	[hbm4b:s31+s2] =	stream.linear.scatter [tilespmem:s28], [sflag:$0x2], $0x40, $0x38;
	[tilespmem:$0x8400] =	vst v63  }
0x7b: {  	s31 =	smov.u32 s29;
	s28 =	smov.u32 s30;
	p0 =	sne.s32 s29, $0x7F0  }
.Ltmp7:
0x7c: {  	s29 =	sadd.s32 $0x10, s29;
	(pc) =	sbr.rel @p0 .LBB2_16-.Ltmp7, $2  }
0x7d: {  	_ =	sdelay $0x2  }
0x7e: {  	s30 =	sadd.s32 $0x80, s30;
	s31 =	sadd.s32 s31, s13  }
0x7f: {  	[hbm4b:s31+s2] =	stream.linear.scatter [tilespmem:s28], [sflag:$0x2], $0x40, $0x38;
	[tilespmem:$0x8400] =	vst v63  }
0x80: {  	s26 =	sadd.s32 $0x1, s26  }
0x81: {  	_ =	swait.ge [sflag:s20], $0x2000;
	p0 =	sne.s32 s26, s14  }
.Ltmp8:
0x82: {  	[sflag:s20] =	ssyncset.done $0x0;
	(pc) =	sbr.rel @p0 .LBB2_1-.Ltmp8, $4  }
0x83: {  	[sflag:s20] =	ssyncadd.s32 $0xFFFFE000  }
0x84: {  	_ =	swait.ge [sflag:s20], $0x2000  }
0x85: {  	[sflag:s20] =	ssyncset.done $0x0  }
0x86: {  	[sflag:s20] =	ssyncadd.s32 $0xFFFFE000  }
0x87: {  	_ =	sfence.sel $0x180000  }
0x88: {  	[bflag:$0x0] =	sbarrier.arrive $0xFFFF  }
0x89: {  	p0 =	sne.s32 s1, $0x0;
	_ =	strace $0x90000047  }
0x8a: {  	s0 =	sadd.s32 @!p0 $0x100000, s0;
	[bflag:$0x2] =	sbarrier.arrive $0xFFFF  }
0x8b: {  	[sflag:s0] =	ssyncadd.tile.s32 @!p0 $0x1;
	_ =	shalt  }
.Lfunc_end2:
_tile_overlayer_lowered:
.L_overlay_start_2:
0x8c: {  	(tag) =	ssettag $0x2  }
0x8d: {  	s0 =	rddreg [dreg:$0x0];
	s2 =	stileid.u32  }
0x8e: {  	s1 =	rddreg [dreg:$0x1];
	p0 =	sne.s32 s2, $0x0  }
0x8f: {  	s3 =	rddreg [dreg:$0x2];
	[bflag:$0x3] =	sbarrier.arrive $0xFFFF;
	s2 =	simm.s32 @!p0 $0x1C03  }
0x90: {  	[timem:s3], [sflag:s2] =	dma.local @!p0 [hbm:s0], s1  }
0x91: {  	s0 =	simm.s32 @!p0 $0x3  }
0x92: {  	_ =	swait.ge @!p0 [sflag:s0], s1  }
0x93: {  	s1 =	ssub.s32 @!p0 $0x0, s1;
	[sflag:s0] =	ssyncset.done @!p0 $0x0  }
0x94: {  	[sflag:s0] =	ssyncadd.s32 @!p0 s1  }
0x95: {  	[bflag:$0x3] =	sbarrier.arrive $0xFFFF  }
0x96: {  	_ =	shalt  }

</sc_bundles>
